<compile_context>
chip_gen: v7x
topology: tpu7x:2x2x1
jax: 0.10.2.dev20260603
libtpu: 0.0.44.dev20260713+nightly
codegen_flags: <defaults>
</compile_context>

<pallas_src>
import functools

import jax
import jax.numpy as jnp
from jax import lax
from jax.experimental import pallas as pl
from jax.experimental.pallas import tpu as pltpu
from jax.experimental.pallas import tpu_sc as plsc

_D = 4096
_B = 32
_NC = 2
_NS = 16
_NW = _NC * _NS
_L = 16
_ROWS = _D // _NW
_CHUNKS = 4
_CROWS = _ROWS // _CHUNKS

_TWO_OVER_PI = 0.63661975
_C1 = 1.5703125
_C2 = 0.0004838268
_S1, _S2, _S3 = -0.16666667, 0.0083333310, -0.00019840874
_K1, _K2, _K3 = -0.5, 0.041666638, -0.0013888397

_mesh = plsc.VectorSubcoreMesh(core_axis_name="c", subcore_axis_name="s")


@functools.partial(
    pl.kernel,
    out_type=(
        jax.ShapeDtypeStruct((_D, _B), jnp.float32),
        jax.ShapeDtypeStruct((_D, _B), jnp.float32),
    ),
    mesh=_mesh,
    scratch_types=(
        pltpu.VMEM((_ROWS, _B), jnp.float32),
        pltpu.VMEM((8, 128), jnp.float32),
        pltpu.VMEM((_ROWS, _B), jnp.float32),
        pltpu.VMEM((_ROWS, _B), jnp.float32),
        [pltpu.SemaphoreType.DMA] * _CHUNKS,
        [pltpu.SemaphoreType.DMA] * _CHUNKS,
    ),
    compiler_params=pltpu.CompilerParams(use_tc_tiling_on_sc=True),
)
def _crz_sc(x_hbm, ang_hbm, re_hbm, im_hbm, xv, av, rev, imv, insems, outsems):
    cid = lax.axis_index("c")
    sid = lax.axis_index("s")
    wid = sid * _NC + cid
    loc = (wid >> 4) & 1
    kdig = (wid >> 3) & 1
    base = wid * _ROWS

    incopies = []
    for t in range(_CHUNKS):
        incopies.append(pltpu.make_async_copy(
            x_hbm.at[pl.ds(base + t * _CROWS, _CROWS)],
            xv.at[pl.ds(t * _CROWS, _CROWS)],
            insems[t],
        ))
        incopies[t].start()
    pltpu.sync_copy(ang_hbm, av)

    a = av[0, pl.ds(0, _L)] * 0.5
    q = a * _TWO_OVER_PI
    k = (q + 0.5 * jnp.sign(q)).astype(jnp.int32)
    kf = k.astype(jnp.float32)
    r = (a - kf * _C1) - kf * _C2
    r2 = r * r
    sp = r * (1.0 + r2 * (_S1 + r2 * (_S2 + r2 * _S3)))
    cp = 1.0 + r2 * (_K1 + r2 * (_K2 + r2 * _K3))
    m = k & 3
    vsin = jnp.where(m == 0, sp, jnp.where(m == 1, cp, jnp.where(m == 2, -sp, -cp)))
    vcos = jnp.where(m == 0, cp, jnp.where(m == 1, -sp, jnp.where(m == 2, -cp, sp)))

    locf = loc.astype(jnp.float32)
    sgn = (2 * kdig - 1).astype(jnp.float32)
    vcr = 1.0 + locf * (vcos - 1.0)
    vci = (locf * sgn) * vsin

    outcopies = []
    for t in range(_CHUNKS):
        incopies[t].wait()
        cbase = t * _CROWS

        def row(rr, carry):
            for c in (0, _L):
                v = xv[rr, pl.ds(c, _L)]
                rev[rr, pl.ds(c, _L)] = vcr * v
                imv[rr, pl.ds(c, _L)] = vci * v
            return carry

        lax.fori_loop(cbase, cbase + _CROWS, row, 0)

        for src, dst in ((rev, re_hbm), (imv, im_hbm)):
            cpy = pltpu.make_async_copy(
                src.at[pl.ds(cbase, _CROWS)],
                dst.at[pl.ds(base + cbase, _CROWS)],
                outsems[t],
            )
            cpy.start()
            outcopies.append(cpy)

    for cpy in outcopies:
        cpy.wait()


def kernel(x, angle):
    re, im = _crz_sc(x, jnp.full((8, 128), angle[0], jnp.float32))
    return lax.complex(re, im)

# --- scband reference (transcript-rebuilt; emitter-appended) ---
"""Pipeline reference for scband-crz-88871463288931 (READ-ONLY COPY).

The authoritative reference and input builder live on the scoring server;
editing this copy changes nothing except your own understanding.
"""

import jax, jax.numpy as jnp
import numpy as np

DIM = 2
NQ = 12
C_IDX = 0
T_IDX = 1
J = 1
D = DIM ** NQ
BATCH = 32


def setup_inputs(seed: int = 0) -> dict:
    key = jax.random.key(seed)
    k1, k2 = jax.random.split(key)
    x = jax.random.normal(k1, (D, BATCH), dtype=jnp.float32)
    # learned parameter: angle = pi * randn(1)
    angle = np.pi * jax.random.normal(k2, (1,), dtype=jnp.float32)
    return {"x": x, "angle": angle}


def reference(x, angle):
    # Vectorized faithful translation of the CRZ forward loop.
    # Original: for each m in dim^(N-1), decompose m into N-1 base-dim digits
    # (most-significant-first), read control digit loc=local[c], insert target
    # digit k at position t, scatter diagonal value at intk=den2dec(listk).
    # Equivalent: for each full index i in [0, D), control digit sits at full
    # position (c if c < t else c+1) and target digit at full position t.
    c_full = C_IDX if C_IDX < T_IDX else C_IDX + 1
    idx = jnp.arange(D)
    loc = (idx // (DIM ** (NQ - 1 - c_full))) % DIM
    kdig = (idx // (DIM ** (NQ - 1 - T_IDX))) % DIM
    a = loc.astype(jnp.float32) * angle[0] / 2.0 * np.sqrt(2.0 / (J * (J + 1)))
    v_lt = (jnp.cos(a) - 1j * jnp.sin(a)).astype(jnp.complex64)
    v_eq = (jnp.cos(J * a) + 1j * jnp.sin(J * a)).astype(jnp.complex64)
    ones = jnp.ones_like(v_lt)
    vals = jnp.where(kdig < J, v_lt, jnp.where(kdig == J, v_eq, ones)).astype(jnp.complex64)
    # scatter-overwrite diagonal values into dense D x D complex matrix
    U = jnp.zeros((D, D), dtype=jnp.complex64)
    U = U.at[idx, idx].set(vals)
    return U @ x.astype(jnp.complex64)

if __name__ == "__main__":
    import jax
    _d = setup_inputs()
    print(jax.jit(kernel)(*tuple(_d.values())))

</pallas_src>

<mosaic_0001>
#map = affine_map<(d0, d1) -> (0, 0)>
module attributes {stable_mosaic.version = 14 : i64} {
  func.func @_crz_sc(%arg0: i32, %arg1: i32, %arg2: memref<4096x32xf32, #tpu.memory_space<hbm>>, %arg3: memref<8x128xf32, #tpu.memory_space<hbm>>, %arg4: memref<4096x32xf32, #tpu.memory_space<hbm>>, %arg5: memref<4096x32xf32, #tpu.memory_space<hbm>>, %arg6: memref<128x32xf32, #tpu.memory_space<vmem>>, %arg7: memref<8x128xf32, #tpu.memory_space<vmem>>, %arg8: memref<128x32xf32, #tpu.memory_space<vmem>>, %arg9: memref<128x32xf32, #tpu.memory_space<vmem>>, %arg10: memref<!tpu.dma_semaphore, #tpu.memory_space<semaphore_mem>>, %arg11: memref<!tpu.dma_semaphore, #tpu.memory_space<semaphore_mem>>, %arg12: memref<!tpu.dma_semaphore, #tpu.memory_space<semaphore_mem>>, %arg13: memref<!tpu.dma_semaphore, #tpu.memory_space<semaphore_mem>>, %arg14: memref<!tpu.dma_semaphore, #tpu.memory_space<semaphore_mem>>, %arg15: memref<!tpu.dma_semaphore, #tpu.memory_space<semaphore_mem>>, %arg16: memref<!tpu.dma_semaphore, #tpu.memory_space<semaphore_mem>>, %arg17: memref<!tpu.dma_semaphore, #tpu.memory_space<semaphore_mem>>) attributes {dimension_semantics = [#tpu.dimension_semantics<core_parallel>, #tpu.dimension_semantics<subcore_parallel>], iteration_bounds = array<i64: 2, 16>, scalar_prefetch = 0 : i64, scratch_operands = 12 : i64, tpu.core_type = #tpu.core_type<sc_vector_subcore>, window_params = [{transform_indices = #map}, {transform_indices = #map}, {transform_indices = #map}, {transform_indices = #map}]} {
    %mul3A = arith.constant 2 : i32
    %mul3A_0 = arith.muli %arg1, %mul3A : i32
    %add3A = arith.addi %mul3A_0, %arg0 : i32
    %shift_right_arithmetic3A = arith.constant 4 : i32
    %shift_right_arithmetic3A_1 = arith.shrsi %add3A, %shift_right_arithmetic3A : i32
    %and3A = arith.constant 1 : i32
    %and3A_2 = arith.andi %shift_right_arithmetic3A_1, %and3A : i32
    %shift_right_arithmetic3A_3 = arith.constant 3 : i32
    %shift_right_arithmetic3A_4 = arith.shrsi %add3A, %shift_right_arithmetic3A_3 : i32
    %and3A_5 = arith.constant 1 : i32
    %and3A_6 = arith.andi %shift_right_arithmetic3A_4, %and3A_5 : i32
    %mul3A_7 = arith.constant 128 : i32
    %mul3A_8 = arith.muli %add3A, %mul3A_7 : i32
    %add3A_9 = arith.constant 0 : i32
    %add3A_10 = arith.addi %mul3A_8, %add3A_9 : i32
    %dma_start3A = arith.constant 0 : i32
    %dma_start3A_11 = arith.constant 0 : i32
    %dma_start3A_12 = tpu.memref_slice %arg6[%dma_start3A, %dma_start3A_11] : memref<128x32xf32, #tpu.memory_space<vmem>> -> memref<32x32xf32, #tpu.memory_space<vmem>>
    %dma_start3A_13 = arith.constant 0 : i32
    %dma_start3A_14 = tpu.memref_slice %arg2[%add3A_10, %dma_start3A_13] : memref<4096x32xf32, #tpu.memory_space<hbm>> -> memref<32x32xf32, #tpu.memory_space<hbm>>
    %dma_start3A_15 = arith.constant 0 : i32
    %dma_start3A_16 = arith.constant 0 : i32
    %dma_start3A_17 = tpu.memref_slice %arg6[%dma_start3A_15, %dma_start3A_16] : memref<128x32xf32, #tpu.memory_space<vmem>> -> memref<32x32xf32, #tpu.memory_space<vmem>>
    %dma_start3A_18 = arith.constant 0 : i32
    %dma_start3A_19 = tpu.memref_slice %arg2[%add3A_10, %dma_start3A_18] : memref<4096x32xf32, #tpu.memory_space<hbm>> -> memref<32x32xf32, #tpu.memory_space<hbm>>
    tpu.enqueue_dma source(%dma_start3A_19 : memref<32x32xf32, #tpu.memory_space<hbm>>) target(%dma_start3A_17 : memref<32x32xf32, #tpu.memory_space<vmem>>) target_semaphore(%arg10 : memref<!tpu.dma_semaphore, #tpu.memory_space<semaphore_mem>>)
    %add3A_20 = arith.constant 32 : i32
    %add3A_21 = arith.addi %mul3A_8, %add3A_20 : i32
    %dma_start3A_22 = arith.constant 32 : i32
    %dma_start3A_23 = arith.constant 0 : i32
    %dma_start3A_24 = tpu.memref_slice %arg6[%dma_start3A_22, %dma_start3A_23] : memref<128x32xf32, #tpu.memory_space<vmem>> -> memref<32x32xf32, #tpu.memory_space<vmem>>
    %dma_start3A_25 = arith.constant 0 : i32
    %dma_start3A_26 = tpu.memref_slice %arg2[%add3A_21, %dma_start3A_25] : memref<4096x32xf32, #tpu.memory_space<hbm>> -> memref<32x32xf32, #tpu.memory_space<hbm>>
    %dma_start3A_27 = arith.constant 32 : i32
    %dma_start3A_28 = arith.constant 0 : i32
    %dma_start3A_29 = tpu.memref_slice %arg6[%dma_start3A_27, %dma_start3A_28] : memref<128x32xf32, #tpu.memory_space<vmem>> -> memref<32x32xf32, #tpu.memory_space<vmem>>
    %dma_start3A_30 = arith.constant 0 : i32
    %dma_start3A_31 = tpu.memref_slice %arg2[%add3A_21, %dma_start3A_30] : memref<4096x32xf32, #tpu.memory_space<hbm>> -> memref<32x32xf32, #tpu.memory_space<hbm>>
    tpu.enqueue_dma source(%dma_start3A_31 : memref<32x32xf32, #tpu.memory_space<hbm>>) target(%dma_start3A_29 : memref<32x32xf32, #tpu.memory_space<vmem>>) target_semaphore(%arg11 : memref<!tpu.dma_semaphore, #tpu.memory_space<semaphore_mem>>)
    %add3A_32 = arith.constant 64 : i32
    %add3A_33 = arith.addi %mul3A_8, %add3A_32 : i32
    %dma_start3A_34 = arith.constant 64 : i32
    %dma_start3A_35 = arith.constant 0 : i32
    %dma_start3A_36 = tpu.memref_slice %arg6[%dma_start3A_34, %dma_start3A_35] : memref<128x32xf32, #tpu.memory_space<vmem>> -> memref<32x32xf32, #tpu.memory_space<vmem>>
    %dma_start3A_37 = arith.constant 0 : i32
    %dma_start3A_38 = tpu.memref_slice %arg2[%add3A_33, %dma_start3A_37] : memref<4096x32xf32, #tpu.memory_space<hbm>> -> memref<32x32xf32, #tpu.memory_space<hbm>>
    %dma_start3A_39 = arith.constant 64 : i32
    %dma_start3A_40 = arith.constant 0 : i32
    %dma_start3A_41 = tpu.memref_slice %arg6[%dma_start3A_39, %dma_start3A_40] : memref<128x32xf32, #tpu.memory_space<vmem>> -> memref<32x32xf32, #tpu.memory_space<vmem>>
    %dma_start3A_42 = arith.constant 0 : i32
    %dma_start3A_43 = tpu.memref_slice %arg2[%add3A_33, %dma_start3A_42] : memref<4096x32xf32, #tpu.memory_space<hbm>> -> memref<32x32xf32, #tpu.memory_space<hbm>>
    tpu.enqueue_dma source(%dma_start3A_43 : memref<32x32xf32, #tpu.memory_space<hbm>>) target(%dma_start3A_41 : memref<32x32xf32, #tpu.memory_space<vmem>>) target_semaphore(%arg12 : memref<!tpu.dma_semaphore, #tpu.memory_space<semaphore_mem>>)
    %add3A_44 = arith.constant 96 : i32
    %add3A_45 = arith.addi %mul3A_8, %add3A_44 : i32
    %dma_start3A_46 = arith.constant 96 : i32
    %dma_start3A_47 = arith.constant 0 : i32
    %dma_start3A_48 = tpu.memref_slice %arg6[%dma_start3A_46, %dma_start3A_47] : memref<128x32xf32, #tpu.memory_space<vmem>> -> memref<32x32xf32, #tpu.memory_space<vmem>>
    %dma_start3A_49 = arith.constant 0 : i32
    %dma_start3A_50 = tpu.memref_slice %arg2[%add3A_45, %dma_start3A_49] : memref<4096x32xf32, #tpu.memory_space<hbm>> -> memref<32x32xf32, #tpu.memory_space<hbm>>
    %dma_start3A_51 = arith.constant 96 : i32
    %dma_start3A_52 = arith.constant 0 : i32
    %dma_start3A_53 = tpu.memref_slice %arg6[%dma_start3A_51, %dma_start3A_52] : memref<128x32xf32, #tpu.memory_space<vmem>> -> memref<32x32xf32, #tpu.memory_space<vmem>>
    %dma_start3A_54 = arith.constant 0 : i32
    %dma_start3A_55 = tpu.memref_slice %arg2[%add3A_45, %dma_start3A_54] : memref<4096x32xf32, #tpu.memory_space<hbm>> -> memref<32x32xf32, #tpu.memory_space<hbm>>
    tpu.enqueue_dma source(%dma_start3A_55 : memref<32x32xf32, #tpu.memory_space<hbm>>) target(%dma_start3A_53 : memref<32x32xf32, #tpu.memory_space<vmem>>) target_semaphore(%arg13 : memref<!tpu.dma_semaphore, #tpu.memory_space<semaphore_mem>>)
    "tpu.region"() ({
      %run_scoped3A = tpu.sem_alloc : memref<!tpu.dma_semaphore, #tpu.memory_space<semaphore_mem>>
      tpu.enqueue_dma source(%arg3 : memref<8x128xf32, #tpu.memory_space<hbm>>) target(%arg7 : memref<8x128xf32, #tpu.memory_space<vmem>>) target_semaphore(%run_scoped3A : memref<!tpu.dma_semaphore, #tpu.memory_space<semaphore_mem>>)
      tpu.wait_dma2 semaphore(%run_scoped3A : memref<!tpu.dma_semaphore, #tpu.memory_space<semaphore_mem>>) src(%arg3 : memref<8x128xf32, #tpu.memory_space<hbm>>) dst(%arg7 : memref<8x128xf32, #tpu.memory_space<vmem>>)
      tpu.yield
    }) : () -> ()
    %get3A = arith.constant 0 : i32
    %get3A_56 = arith.index_cast %get3A : i32 to index
    %get3A_57 = arith.constant 0 : index
    %get3A_58 = tpu.vector_load %arg7[%get3A_56, %get3A_57] {strides = array<i32>} : memref<8x128xf32, #tpu.memory_space<vmem>>, vector<1x16xf32>,
    %get3A_59 = vector.shape_cast %get3A_58 : vector<1x16xf32> to vector<16xf32>
    %mul3A_60 = arith.constant 5.000000e-01 : f32
    %mul3A_61 = vector.broadcast %mul3A_60 : f32 to vector<16xf32>
    %mul3A_62 = arith.mulf %get3A_59, %mul3A_61 : vector<16xf32>
    %mul3A_63 = arith.constant 0.636619746 : f32
    %mul3A_64 = vector.broadcast %mul3A_63 : f32 to vector<16xf32>
    %mul3A_65 = arith.mulf %mul3A_62, %mul3A_64 : vector<16xf32>
    %sign3A = tpu.bitcast %mul3A_65 : vector<16xf32> -> vector<16xi32>
    %sign3A_66 = arith.constant -2147483648 : i32
    %sign3A_67 = vector.broadcast %sign3A_66 : i32 to vector<16xi32>
    %sign3A_68 = arith.andi %sign3A, %sign3A_67 : vector<16xi32>
    %sign3A_69 = arith.constant 1065353216 : i32
    %sign3A_70 = vector.broadcast %sign3A_69 : i32 to vector<16xi32>
    %sign3A_71 = arith.ori %sign3A_70, %sign3A_68 : vector<16xi32>
    %sign3A_72 = tpu.bitcast %sign3A_71 : vector<16xi32> -> vector<16xf32>
    %sign3A_73 = math.absf %mul3A_65 : vector<16xf32>
    %sign3A_74 = arith.constant 0.000000e+00 : f32
    %sign3A_75 = vector.broadcast %sign3A_74 : f32 to vector<16xf32>
    %sign3A_76 = arith.cmpf ogt, %sign3A_73, %sign3A_75 : vector<16xf32>
    %sign3A_77 = arith.select %sign3A_76, %sign3A_72, %mul3A_65 : vector<16xi1>, vector<16xf32>
    %mul3A_78 = arith.constant 5.000000e-01 : f32
    %mul3A_79 = vector.broadcast %mul3A_78 : f32 to vector<16xf32>
    %mul3A_80 = arith.mulf %mul3A_79, %sign3A_77 : vector<16xf32>
    %add3A_81 = arith.addf %mul3A_65, %mul3A_80 : vector<16xf32>
    %convert_element_type3A = arith.fptosi %add3A_81 : vector<16xf32> to vector<16xi32>
    %convert_element_type3A_82 = arith.sitofp %convert_element_type3A : vector<16xi32> to vector<16xf32>
    %mul3A_83 = arith.constant 1.5703125 : f32
    %mul3A_84 = vector.broadcast %mul3A_83 : f32 to vector<16xf32>
    %mul3A_85 = arith.mulf %convert_element_type3A_82, %mul3A_84 : vector<16xf32>
    %sub3A = arith.subf %mul3A_62, %mul3A_85 : vector<16xf32>
    %mul3A_86 = arith.constant 4.83826792E-4 : f32
    %mul3A_87 = vector.broadcast %mul3A_86 : f32 to vector<16xf32>
    %mul3A_88 = arith.mulf %convert_element_type3A_82, %mul3A_87 : vector<16xf32>
    %sub3A_89 = arith.subf %sub3A, %mul3A_88 : vector<16xf32>
    %mul3A_90 = arith.mulf %sub3A_89, %sub3A_89 : vector<16xf32>
    %mul3A_91 = arith.constant -1.98408743E-4 : f32
    %mul3A_92 = vector.broadcast %mul3A_91 : f32 to vector<16xf32>
    %mul3A_93 = arith.mulf %mul3A_90, %mul3A_92 : vector<16xf32>
    %add3A_94 = arith.constant 0.00833333097 : f32
    %add3A_95 = vector.broadcast %add3A_94 : f32 to vector<16xf32>
    %add3A_96 = arith.addf %add3A_95, %mul3A_93 : vector<16xf32>
    %mul3A_97 = arith.mulf %mul3A_90, %add3A_96 : vector<16xf32>
    %add3A_98 = arith.constant -0.166666672 : f32
    %add3A_99 = vector.broadcast %add3A_98 : f32 to vector<16xf32>
    %add3A_100 = arith.addf %add3A_99, %mul3A_97 : vector<16xf32>
    %mul3A_101 = arith.mulf %mul3A_90, %add3A_100 : vector<16xf32>
    %add3A_102 = arith.constant 1.000000e+00 : f32
    %add3A_103 = vector.broadcast %add3A_102 : f32 to vector<16xf32>
    %add3A_104 = arith.addf %add3A_103, %mul3A_101 : vector<16xf32>
    %mul3A_105 = arith.mulf %sub3A_89, %add3A_104 : vector<16xf32>
    %mul3A_106 = arith.constant -0.00138883968 : f32
    %mul3A_107 = vector.broadcast %mul3A_106 : f32 to vector<16xf32>
    %mul3A_108 = arith.mulf %mul3A_90, %mul3A_107 : vector<16xf32>
    %add3A_109 = arith.constant 0.0416666381 : f32
    %add3A_110 = vector.broadcast %add3A_109 : f32 to vector<16xf32>
    %add3A_111 = arith.addf %add3A_110, %mul3A_108 : vector<16xf32>
    %mul3A_112 = arith.mulf %mul3A_90, %add3A_111 : vector<16xf32>
    %add3A_113 = arith.constant -5.000000e-01 : f32
    %add3A_114 = vector.broadcast %add3A_113 : f32 to vector<16xf32>
    %add3A_115 = arith.addf %add3A_114, %mul3A_112 : vector<16xf32>
    %mul3A_116 = arith.mulf %mul3A_90, %add3A_115 : vector<16xf32>
    %add3A_117 = arith.constant 1.000000e+00 : f32
    %add3A_118 = vector.broadcast %add3A_117 : f32 to vector<16xf32>
    %add3A_119 = arith.addf %add3A_118, %mul3A_116 : vector<16xf32>
    %and3A_120 = arith.constant 3 : i32
    %and3A_121 = vector.broadcast %and3A_120 : i32 to vector<16xi32>
    %and3A_122 = arith.andi %convert_element_type3A, %and3A_121 : vector<16xi32>
    %eq3A = arith.constant 0 : i32
    %eq3A_123 = vector.broadcast %eq3A : i32 to vector<16xi32>
    %eq3A_124 = arith.cmpi eq, %and3A_122, %eq3A_123 : vector<16xi32>
    %eq3A_125 = arith.constant 1 : i32
    %eq3A_126 = vector.broadcast %eq3A_125 : i32 to vector<16xi32>
    %eq3A_127 = arith.cmpi eq, %and3A_122, %eq3A_126 : vector<16xi32>
    %eq3A_128 = arith.constant 2 : i32
    %eq3A_129 = vector.broadcast %eq3A_128 : i32 to vector<16xi32>
    %eq3A_130 = arith.cmpi eq, %and3A_122, %eq3A_129 : vector<16xi32>
    %neg3A = arith.constant 0.000000e+00 : f32
    %neg3A_131 = vector.broadcast %neg3A : f32 to vector<16xf32>
    %neg3A_132 = arith.subf %neg3A_131, %mul3A_105 : vector<16xf32>
    %neg3A_133 = arith.constant 0.000000e+00 : f32
    %neg3A_134 = vector.broadcast %neg3A_133 : f32 to vector<16xf32>
    %neg3A_135 = arith.subf %neg3A_134, %add3A_119 : vector<16xf32>
    %select_n3A = arith.select %eq3A_130, %neg3A_132, %neg3A_135 : vector<16xi1>, vector<16xf32>
    %select_n3A_136 = arith.select %eq3A_127, %add3A_119, %select_n3A : vector<16xi1>, vector<16xf32>
    %select_n3A_137 = arith.select %eq3A_124, %mul3A_105, %select_n3A_136 : vector<16xi1>, vector<16xf32>
    %eq3A_138 = arith.constant 0 : i32
    %eq3A_139 = vector.broadcast %eq3A_138 : i32 to vector<16xi32>
    %eq3A_140 = arith.cmpi eq, %and3A_122, %eq3A_139 : vector<16xi32>
    %eq3A_141 = arith.constant 1 : i32
    %eq3A_142 = vector.broadcast %eq3A_141 : i32 to vector<16xi32>
    %eq3A_143 = arith.cmpi eq, %and3A_122, %eq3A_142 : vector<16xi32>
    %neg3A_144 = arith.constant 0.000000e+00 : f32
    %neg3A_145 = vector.broadcast %neg3A_144 : f32 to vector<16xf32>
    %neg3A_146 = arith.subf %neg3A_145, %mul3A_105 : vector<16xf32>
    %eq3A_147 = arith.constant 2 : i32
    %eq3A_148 = vector.broadcast %eq3A_147 : i32 to vector<16xi32>
    %eq3A_149 = arith.cmpi eq, %and3A_122, %eq3A_148 : vector<16xi32>
    %neg3A_150 = arith.constant 0.000000e+00 : f32
    %neg3A_151 = vector.broadcast %neg3A_150 : f32 to vector<16xf32>
    %neg3A_152 = arith.subf %neg3A_151, %add3A_119 : vector<16xf32>
    %select_n3A_153 = arith.select %eq3A_149, %neg3A_152, %mul3A_105 : vector<16xi1>, vector<16xf32>
    %select_n3A_154 = arith.select %eq3A_143, %neg3A_146, %select_n3A_153 : vector<16xi1>, vector<16xf32>
    %select_n3A_155 = arith.select %eq3A_140, %add3A_119, %select_n3A_154 : vector<16xi1>, vector<16xf32>
    %convert_element_type3A_156 = arith.sitofp %and3A_2 : i32 to f32
    %mul3A_157 = arith.constant 2 : i32
    %mul3A_158 = arith.muli %mul3A_157, %and3A_6 : i32
    %sub3A_159 = arith.constant 1 : i32
    %sub3A_160 = arith.subi %mul3A_158, %sub3A_159 : i32
    %convert_element_type3A_161 = arith.sitofp %sub3A_160 : i32 to f32
    %sub3A_162 = arith.constant 1.000000e+00 : f32
    %sub3A_163 = vector.broadcast %sub3A_162 : f32 to vector<16xf32>
    %sub3A_164 = arith.subf %select_n3A_155, %sub3A_163 : vector<16xf32>
    %mul3A_165 = vector.broadcast %convert_element_type3A_156 : f32 to vector<16xf32>
    %mul3A_166 = arith.mulf %mul3A_165, %sub3A_164 : vector<16xf32>
    %add3A_167 = arith.constant 1.000000e+00 : f32
    %add3A_168 = vector.broadcast %add3A_167 : f32 to vector<16xf32>
    %add3A_169 = arith.addf %add3A_168, %mul3A_166 : vector<16xf32>
    %mul3A_170 = arith.mulf %convert_element_type3A_156, %convert_element_type3A_161 : f32
    %mul3A_171 = vector.broadcast %mul3A_170 : f32 to vector<16xf32>
    %mul3A_172 = arith.mulf %mul3A_171, %select_n3A_137 : vector<16xf32>
    %dma_wait3A = arith.constant 0 : i32
    %dma_wait3A_173 = arith.constant 0 : i32
    %dma_wait3A_174 = tpu.memref_slice %arg6[%dma_wait3A, %dma_wait3A_173] : memref<128x32xf32, #tpu.memory_space<vmem>> -> memref<32x32xf32, #tpu.memory_space<vmem>>
    %dma_wait3A_175 = arith.constant 0 : i32
    %dma_wait3A_176 = tpu.memref_slice %arg2[%add3A_10, %dma_wait3A_175] : memref<4096x32xf32, #tpu.memory_space<hbm>> -> memref<32x32xf32, #tpu.memory_space<hbm>>
    %dma_wait3A_177 = arith.constant 0 : i32
    %dma_wait3A_178 = arith.constant 0 : i32
    %dma_wait3A_179 = tpu.memref_slice %arg6[%dma_wait3A_177, %dma_wait3A_178] : memref<128x32xf32, #tpu.memory_space<vmem>> -> memref<32x32xf32, #tpu.memory_space<vmem>>
    %dma_wait3A_180 = arith.constant 0 : i32
    %dma_wait3A_181 = tpu.memref_slice %arg2[%add3A_10, %dma_wait3A_180] : memref<4096x32xf32, #tpu.memory_space<hbm>> -> memref<32x32xf32, #tpu.memory_space<hbm>>
    tpu.wait_dma2 semaphore(%arg10 : memref<!tpu.dma_semaphore, #tpu.memory_space<semaphore_mem>>) src(%dma_wait3A_181 : memref<32x32xf32, #tpu.memory_space<hbm>>) dst(%dma_wait3A_179 : memref<32x32xf32, #tpu.memory_space<vmem>>)
    %scan3A = arith.constant 0 : i32
    %scan3A_182 = arith.constant 0 : i32
    %scan3A_183 = arith.constant 32 : i32
    %scan3A_184 = arith.addi %scan3A_182, %scan3A_183 : i32
    %scan3A_185 = arith.constant 1 : i32
    scf.for %scan3A_411 = %scan3A_182 to %scan3A_184 step %scan3A_185  : i32 {
      %get3A_412 = arith.index_cast %scan3A_411 : i32 to index
      %get3A_413 = arith.constant 0 : index
      %get3A_414 = tpu.vector_load %arg6[%get3A_412, %get3A_413] {strides = array<i32>} : memref<128x32xf32, #tpu.memory_space<vmem>>, vector<1x16xf32>,
      %get3A_415 = vector.shape_cast %get3A_414 : vector<1x16xf32> to vector<16xf32>
      %mul3A_416 = arith.mulf %add3A_169, %get3A_415 : vector<16xf32>
      %swap3A = arith.index_cast %scan3A_411 : i32 to index
      %swap3A_417 = arith.constant 0 : index
      %swap3A_418 = tpu.vector_load %arg8[%swap3A, %swap3A_417] {strides = array<i32>} : memref<128x32xf32, #tpu.memory_space<vmem>>, vector<1x16xf32>,
      %swap3A_419 = vector.shape_cast %swap3A_418 : vector<1x16xf32> to vector<16xf32>
      %swap3A_420 = vector.shape_cast %mul3A_416 : vector<16xf32> to vector<1x16xf32>
      tpu.vector_store %arg8[%swap3A, %swap3A_417], %swap3A_420 {strides = array<i32>} : memref<128x32xf32, #tpu.memory_space<vmem>>, vector<1x16xf32>,
      %mul3A_421 = arith.mulf %mul3A_172, %get3A_415 : vector<16xf32>
      %swap3A_422 = arith.index_cast %scan3A_411 : i32 to index
      %swap3A_423 = arith.constant 0 : index
      %swap3A_424 = tpu.vector_load %arg9[%swap3A_422, %swap3A_423] {strides = array<i32>} : memref<128x32xf32, #tpu.memory_space<vmem>>, vector<1x16xf32>,
      %swap3A_425 = vector.shape_cast %swap3A_424 : vector<1x16xf32> to vector<16xf32>
      %swap3A_426 = vector.shape_cast %mul3A_421 : vector<16xf32> to vector<1x16xf32>
      tpu.vector_store %arg9[%swap3A_422, %swap3A_423], %swap3A_426 {strides = array<i32>} : memref<128x32xf32, #tpu.memory_space<vmem>>, vector<1x16xf32>,
      %get3A_427 = arith.index_cast %scan3A_411 : i32 to index
      %get3A_428 = arith.constant 16 : index
      %get3A_429 = tpu.vector_load %arg6[%get3A_427, %get3A_428] {strides = array<i32>} : memref<128x32xf32, #tpu.memory_space<vmem>>, vector<1x16xf32>,
      %get3A_430 = vector.shape_cast %get3A_429 : vector<1x16xf32> to vector<16xf32>
      %mul3A_431 = arith.mulf %add3A_169, %get3A_430 : vector<16xf32>
      %swap3A_432 = arith.index_cast %scan3A_411 : i32 to index
      %swap3A_433 = arith.constant 16 : index
      %swap3A_434 = tpu.vector_load %arg8[%swap3A_432, %swap3A_433] {strides = array<i32>} : memref<128x32xf32, #tpu.memory_space<vmem>>, vector<1x16xf32>,
      %swap3A_435 = vector.shape_cast %swap3A_434 : vector<1x16xf32> to vector<16xf32>
      %swap3A_436 = vector.shape_cast %mul3A_431 : vector<16xf32> to vector<1x16xf32>
      tpu.vector_store %arg8[%swap3A_432, %swap3A_433], %swap3A_436 {strides = array<i32>} : memref<128x32xf32, #tpu.memory_space<vmem>>, vector<1x16xf32>,
      %mul3A_437 = arith.mulf %mul3A_172, %get3A_430 : vector<16xf32>
      %swap3A_438 = arith.index_cast %scan3A_411 : i32 to index
      %swap3A_439 = arith.constant 16 : index
      %swap3A_440 = tpu.vector_load %arg9[%swap3A_438, %swap3A_439] {strides = array<i32>} : memref<128x32xf32, #tpu.memory_space<vmem>>, vector<1x16xf32>,
      %swap3A_441 = vector.shape_cast %swap3A_440 : vector<1x16xf32> to vector<16xf32>
      %swap3A_442 = vector.shape_cast %mul3A_437 : vector<16xf32> to vector<1x16xf32>
      tpu.vector_store %arg9[%swap3A_438, %swap3A_439], %swap3A_442 {strides = array<i32>} : memref<128x32xf32, #tpu.memory_space<vmem>>, vector<1x16xf32>,
    }
    %scan3A_186 = arith.constant 32 : i32
    %add3A_187 = arith.constant 0 : i32
    %add3A_188 = arith.addi %mul3A_8, %add3A_187 : i32
    %dma_start3A_189 = arith.constant 0 : i32
    %dma_start3A_190 = arith.constant 0 : i32
    %dma_start3A_191 = tpu.memref_slice %arg8[%dma_start3A_189, %dma_start3A_190] : memref<128x32xf32, #tpu.memory_space<vmem>> -> memref<32x32xf32, #tpu.memory_space<vmem>>
    %dma_start3A_192 = arith.constant 0 : i32
    %dma_start3A_193 = tpu.memref_slice %arg4[%add3A_188, %dma_start3A_192] : memref<4096x32xf32, #tpu.memory_space<hbm>> -> memref<32x32xf32, #tpu.memory_space<hbm>>
    %dma_start3A_194 = arith.constant 0 : i32
    %dma_start3A_195 = tpu.memref_slice %arg4[%add3A_188, %dma_start3A_194] : memref<4096x32xf32, #tpu.memory_space<hbm>> -> memref<32x32xf32, #tpu.memory_space<hbm>>
    %dma_start3A_196 = arith.constant 0 : i32
    %dma_start3A_197 = arith.constant 0 : i32
    %dma_start3A_198 = tpu.memref_slice %arg8[%dma_start3A_196, %dma_start3A_197] : memref<128x32xf32, #tpu.memory_space<vmem>> -> memref<32x32xf32, #tpu.memory_space<vmem>>
    tpu.enqueue_dma source(%dma_start3A_198 : memref<32x32xf32, #tpu.memory_space<vmem>>) target(%dma_start3A_195 : memref<32x32xf32, #tpu.memory_space<hbm>>) target_semaphore(%arg14 : memref<!tpu.dma_semaphore, #tpu.memory_space<semaphore_mem>>)
    %add3A_199 = arith.constant 0 : i32
    %add3A_200 = arith.addi %mul3A_8, %add3A_199 : i32
    %dma_start3A_201 = arith.constant 0 : i32
    %dma_start3A_202 = arith.constant 0 : i32
    %dma_start3A_203 = tpu.memref_slice %arg9[%dma_start3A_201, %dma_start3A_202] : memref<128x32xf32, #tpu.memory_space<vmem>> -> memref<32x32xf32, #tpu.memory_space<vmem>>
    %dma_start3A_204 = arith.constant 0 : i32
    %dma_start3A_205 = tpu.memref_slice %arg5[%add3A_200, %dma_start3A_204] : memref<4096x32xf32, #tpu.memory_space<hbm>> -> memref<32x32xf32, #tpu.memory_space<hbm>>
    %dma_start3A_206 = arith.constant 0 : i32
    %dma_start3A_207 = tpu.memref_slice %arg5[%add3A_200, %dma_start3A_206] : memref<4096x32xf32, #tpu.memory_space<hbm>> -> memref<32x32xf32, #tpu.memory_space<hbm>>
    %dma_start3A_208 = arith.constant 0 : i32
    %dma_start3A_209 = arith.constant 0 : i32
    %dma_start3A_210 = tpu.memref_slice %arg9[%dma_start3A_208, %dma_start3A_209] : memref<128x32xf32, #tpu.memory_space<vmem>> -> memref<32x32xf32, #tpu.memory_space<vmem>>
    tpu.enqueue_dma source(%dma_start3A_210 : memref<32x32xf32, #tpu.memory_space<vmem>>) target(%dma_start3A_207 : memref<32x32xf32, #tpu.memory_space<hbm>>) target_semaphore(%arg14 : memref<!tpu.dma_semaphore, #tpu.memory_space<semaphore_mem>>)
    %dma_wait3A_211 = arith.constant 32 : i32
    %dma_wait3A_212 = arith.constant 0 : i32
    %dma_wait3A_213 = tpu.memref_slice %arg6[%dma_wait3A_211, %dma_wait3A_212] : memref<128x32xf32, #tpu.memory_space<vmem>> -> memref<32x32xf32, #tpu.memory_space<vmem>>
    %dma_wait3A_214 = arith.constant 0 : i32
    %dma_wait3A_215 = tpu.memref_slice %arg2[%add3A_21, %dma_wait3A_214] : memref<4096x32xf32, #tpu.memory_space<hbm>> -> memref<32x32xf32, #tpu.memory_space<hbm>>
    %dma_wait3A_216 = arith.constant 32 : i32
    %dma_wait3A_217 = arith.constant 0 : i32
    %dma_wait3A_218 = tpu.memref_slice %arg6[%dma_wait3A_216, %dma_wait3A_217] : memref<128x32xf32, #tpu.memory_space<vmem>> -> memref<32x32xf32, #tpu.memory_space<vmem>>
    %dma_wait3A_219 = arith.constant 0 : i32
    %dma_wait3A_220 = tpu.memref_slice %arg2[%add3A_21, %dma_wait3A_219] : memref<4096x32xf32, #tpu.memory_space<hbm>> -> memref<32x32xf32, #tpu.memory_space<hbm>>
    tpu.wait_dma2 semaphore(%arg11 : memref<!tpu.dma_semaphore, #tpu.memory_space<semaphore_mem>>) src(%dma_wait3A_220 : memref<32x32xf32, #tpu.memory_space<hbm>>) dst(%dma_wait3A_218 : memref<32x32xf32, #tpu.memory_space<vmem>>)
    %scan3A_221 = arith.constant 0 : i32
    %scan3A_222 = arith.constant 32 : i32
    %scan3A_223 = arith.constant 32 : i32
    %scan3A_224 = arith.addi %scan3A_222, %scan3A_223 : i32
    %scan3A_225 = arith.constant 1 : i32
    scf.for %scan3A_411 = %scan3A_222 to %scan3A_224 step %scan3A_225  : i32 {
      %get3A_412 = arith.index_cast %scan3A_411 : i32 to index
      %get3A_413 = arith.constant 0 : index
      %get3A_414 = tpu.vector_load %arg6[%get3A_412, %get3A_413] {strides = array<i32>} : memref<128x32xf32, #tpu.memory_space<vmem>>, vector<1x16xf32>,
      %get3A_415 = vector.shape_cast %get3A_414 : vector<1x16xf32> to vector<16xf32>
      %mul3A_416 = arith.mulf %add3A_169, %get3A_415 : vector<16xf32>
      %swap3A = arith.index_cast %scan3A_411 : i32 to index
      %swap3A_417 = arith.constant 0 : index
      %swap3A_418 = tpu.vector_load %arg8[%swap3A, %swap3A_417] {strides = array<i32>} : memref<128x32xf32, #tpu.memory_space<vmem>>, vector<1x16xf32>,
      %swap3A_419 = vector.shape_cast %swap3A_418 : vector<1x16xf32> to vector<16xf32>
      %swap3A_420 = vector.shape_cast %mul3A_416 : vector<16xf32> to vector<1x16xf32>
      tpu.vector_store %arg8[%swap3A, %swap3A_417], %swap3A_420 {strides = array<i32>} : memref<128x32xf32, #tpu.memory_space<vmem>>, vector<1x16xf32>,
      %mul3A_421 = arith.mulf %mul3A_172, %get3A_415 : vector<16xf32>
      %swap3A_422 = arith.index_cast %scan3A_411 : i32 to index
      %swap3A_423 = arith.constant 0 : index
      %swap3A_424 = tpu.vector_load %arg9[%swap3A_422, %swap3A_423] {strides = array<i32>} : memref<128x32xf32, #tpu.memory_space<vmem>>, vector<1x16xf32>,
      %swap3A_425 = vector.shape_cast %swap3A_424 : vector<1x16xf32> to vector<16xf32>
      %swap3A_426 = vector.shape_cast %mul3A_421 : vector<16xf32> to vector<1x16xf32>
      tpu.vector_store %arg9[%swap3A_422, %swap3A_423], %swap3A_426 {strides = array<i32>} : memref<128x32xf32, #tpu.memory_space<vmem>>, vector<1x16xf32>,
      %get3A_427 = arith.index_cast %scan3A_411 : i32 to index
      %get3A_428 = arith.constant 16 : index
      %get3A_429 = tpu.vector_load %arg6[%get3A_427, %get3A_428] {strides = array<i32>} : memref<128x32xf32, #tpu.memory_space<vmem>>, vector<1x16xf32>,
      %get3A_430 = vector.shape_cast %get3A_429 : vector<1x16xf32> to vector<16xf32>
      %mul3A_431 = arith.mulf %add3A_169, %get3A_430 : vector<16xf32>
      %swap3A_432 = arith.index_cast %scan3A_411 : i32 to index
      %swap3A_433 = arith.constant 16 : index
      %swap3A_434 = tpu.vector_load %arg8[%swap3A_432, %swap3A_433] {strides = array<i32>} : memref<128x32xf32, #tpu.memory_space<vmem>>, vector<1x16xf32>,
      %swap3A_435 = vector.shape_cast %swap3A_434 : vector<1x16xf32> to vector<16xf32>
      %swap3A_436 = vector.shape_cast %mul3A_431 : vector<16xf32> to vector<1x16xf32>
      tpu.vector_store %arg8[%swap3A_432, %swap3A_433], %swap3A_436 {strides = array<i32>} : memref<128x32xf32, #tpu.memory_space<vmem>>, vector<1x16xf32>,
      %mul3A_437 = arith.mulf %mul3A_172, %get3A_430 : vector<16xf32>
      %swap3A_438 = arith.index_cast %scan3A_411 : i32 to index
      %swap3A_439 = arith.constant 16 : index
      %swap3A_440 = tpu.vector_load %arg9[%swap3A_438, %swap3A_439] {strides = array<i32>} : memref<128x32xf32, #tpu.memory_space<vmem>>, vector<1x16xf32>,
      %swap3A_441 = vector.shape_cast %swap3A_440 : vector<1x16xf32> to vector<16xf32>
      %swap3A_442 = vector.shape_cast %mul3A_437 : vector<16xf32> to vector<1x16xf32>
      tpu.vector_store %arg9[%swap3A_438, %swap3A_439], %swap3A_442 {strides = array<i32>} : memref<128x32xf32, #tpu.memory_space<vmem>>, vector<1x16xf32>,
    }
    %scan3A_226 = arith.constant 32 : i32
    %add3A_227 = arith.constant 32 : i32
    %add3A_228 = arith.addi %mul3A_8, %add3A_227 : i32
    %dma_start3A_229 = arith.constant 32 : i32
    %dma_start3A_230 = arith.constant 0 : i32
    %dma_start3A_231 = tpu.memref_slice %arg8[%dma_start3A_229, %dma_start3A_230] : memref<128x32xf32, #tpu.memory_space<vmem>> -> memref<32x32xf32, #tpu.memory_space<vmem>>
    %dma_start3A_232 = arith.constant 0 : i32
    %dma_start3A_233 = tpu.memref_slice %arg4[%add3A_228, %dma_start3A_232] : memref<4096x32xf32, #tpu.memory_space<hbm>> -> memref<32x32xf32, #tpu.memory_space<hbm>>
    %dma_start3A_234 = arith.constant 0 : i32
    %dma_start3A_235 = tpu.memref_slice %arg4[%add3A_228, %dma_start3A_234] : memref<4096x32xf32, #tpu.memory_space<hbm>> -> memref<32x32xf32, #tpu.memory_space<hbm>>
    %dma_start3A_236 = arith.constant 32 : i32
    %dma_start3A_237 = arith.constant 0 : i32
    %dma_start3A_238 = tpu.memref_slice %arg8[%dma_start3A_236, %dma_start3A_237] : memref<128x32xf32, #tpu.memory_space<vmem>> -> memref<32x32xf32, #tpu.memory_space<vmem>>
    tpu.enqueue_dma source(%dma_start3A_238 : memref<32x32xf32, #tpu.memory_space<vmem>>) target(%dma_start3A_235 : memref<32x32xf32, #tpu.memory_space<hbm>>) target_semaphore(%arg15 : memref<!tpu.dma_semaphore, #tpu.memory_space<semaphore_mem>>)
    %add3A_239 = arith.constant 32 : i32
    %add3A_240 = arith.addi %mul3A_8, %add3A_239 : i32
    %dma_start3A_241 = arith.constant 32 : i32
    %dma_start3A_242 = arith.constant 0 : i32
    %dma_start3A_243 = tpu.memref_slice %arg9[%dma_start3A_241, %dma_start3A_242] : memref<128x32xf32, #tpu.memory_space<vmem>> -> memref<32x32xf32, #tpu.memory_space<vmem>>
    %dma_start3A_244 = arith.constant 0 : i32
    %dma_start3A_245 = tpu.memref_slice %arg5[%add3A_240, %dma_start3A_244] : memref<4096x32xf32, #tpu.memory_space<hbm>> -> memref<32x32xf32, #tpu.memory_space<hbm>>
    %dma_start3A_246 = arith.constant 0 : i32
    %dma_start3A_247 = tpu.memref_slice %arg5[%add3A_240, %dma_start3A_246] : memref<4096x32xf32, #tpu.memory_space<hbm>> -> memref<32x32xf32, #tpu.memory_space<hbm>>
    %dma_start3A_248 = arith.constant 32 : i32
    %dma_start3A_249 = arith.constant 0 : i32
    %dma_start3A_250 = tpu.memref_slice %arg9[%dma_start3A_248, %dma_start3A_249] : memref<128x32xf32, #tpu.memory_space<vmem>> -> memref<32x32xf32, #tpu.memory_space<vmem>>
    tpu.enqueue_dma source(%dma_start3A_250 : memref<32x32xf32, #tpu.memory_space<vmem>>) target(%dma_start3A_247 : memref<32x32xf32, #tpu.memory_space<hbm>>) target_semaphore(%arg15 : memref<!tpu.dma_semaphore, #tpu.memory_space<semaphore_mem>>)
    %dma_wait3A_251 = arith.constant 64 : i32
    %dma_wait3A_252 = arith.constant 0 : i32
    %dma_wait3A_253 = tpu.memref_slice %arg6[%dma_wait3A_251, %dma_wait3A_252] : memref<128x32xf32, #tpu.memory_space<vmem>> -> memref<32x32xf32, #tpu.memory_space<vmem>>
    %dma_wait3A_254 = arith.constant 0 : i32
    %dma_wait3A_255 = tpu.memref_slice %arg2[%add3A_33, %dma_wait3A_254] : memref<4096x32xf32, #tpu.memory_space<hbm>> -> memref<32x32xf32, #tpu.memory_space<hbm>>
    %dma_wait3A_256 = arith.constant 64 : i32
    %dma_wait3A_257 = arith.constant 0 : i32
    %dma_wait3A_258 = tpu.memref_slice %arg6[%dma_wait3A_256, %dma_wait3A_257] : memref<128x32xf32, #tpu.memory_space<vmem>> -> memref<32x32xf32, #tpu.memory_space<vmem>>
    %dma_wait3A_259 = arith.constant 0 : i32
    %dma_wait3A_260 = tpu.memref_slice %arg2[%add3A_33, %dma_wait3A_259] : memref<4096x32xf32, #tpu.memory_space<hbm>> -> memref<32x32xf32, #tpu.memory_space<hbm>>
    tpu.wait_dma2 semaphore(%arg12 : memref<!tpu.dma_semaphore, #tpu.memory_space<semaphore_mem>>) src(%dma_wait3A_260 : memref<32x32xf32, #tpu.memory_space<hbm>>) dst(%dma_wait3A_258 : memref<32x32xf32, #tpu.memory_space<vmem>>)
    %scan3A_261 = arith.constant 0 : i32
    %scan3A_262 = arith.constant 64 : i32
    %scan3A_263 = arith.constant 32 : i32
    %scan3A_264 = arith.addi %scan3A_262, %scan3A_263 : i32
    %scan3A_265 = arith.constant 1 : i32
    scf.for %scan3A_411 = %scan3A_262 to %scan3A_264 step %scan3A_265  : i32 {
      %get3A_412 = arith.index_cast %scan3A_411 : i32 to index
      %get3A_413 = arith.constant 0 : index
      %get3A_414 = tpu.vector_load %arg6[%get3A_412, %get3A_413] {strides = array<i32>} : memref<128x32xf32, #tpu.memory_space<vmem>>, vector<1x16xf32>,
      %get3A_415 = vector.shape_cast %get3A_414 : vector<1x16xf32> to vector<16xf32>
      %mul3A_416 = arith.mulf %add3A_169, %get3A_415 : vector<16xf32>
      %swap3A = arith.index_cast %scan3A_411 : i32 to index
      %swap3A_417 = arith.constant 0 : index
      %swap3A_418 = tpu.vector_load %arg8[%swap3A, %swap3A_417] {strides = array<i32>} : memref<128x32xf32, #tpu.memory_space<vmem>>, vector<1x16xf32>,
      %swap3A_419 = vector.shape_cast %swap3A_418 : vector<1x16xf32> to vector<16xf32>
      %swap3A_420 = vector.shape_cast %mul3A_416 : vector<16xf32> to vector<1x16xf32>
      tpu.vector_store %arg8[%swap3A, %swap3A_417], %swap3A_420 {strides = array<i32>} : memref<128x32xf32, #tpu.memory_space<vmem>>, vector<1x16xf32>,
      %mul3A_421 = arith.mulf %mul3A_172, %get3A_415 : vector<16xf32>
      %swap3A_422 = arith.index_cast %scan3A_411 : i32 to index
      %swap3A_423 = arith.constant 0 : index
      %swap3A_424 = tpu.vector_load %arg9[%swap3A_422, %swap3A_423] {strides = array<i32>} : memref<128x32xf32, #tpu.memory_space<vmem>>, vector<1x16xf32>,
      %swap3A_425 = vector.shape_cast %swap3A_424 : vector<1x16xf32> to vector<16xf32>
      %swap3A_426 = vector.shape_cast %mul3A_421 : vector<16xf32> to vector<1x16xf32>
      tpu.vector_store %arg9[%swap3A_422, %swap3A_423], %swap3A_426 {strides = array<i32>} : memref<128x32xf32, #tpu.memory_space<vmem>>, vector<1x16xf32>,
      %get3A_427 = arith.index_cast %scan3A_411 : i32 to index
      %get3A_428 = arith.constant 16 : index
      %get3A_429 = tpu.vector_load %arg6[%get3A_427, %get3A_428] {strides = array<i32>} : memref<128x32xf32, #tpu.memory_space<vmem>>, vector<1x16xf32>,
      %get3A_430 = vector.shape_cast %get3A_429 : vector<1x16xf32> to vector<16xf32>
      %mul3A_431 = arith.mulf %add3A_169, %get3A_430 : vector<16xf32>
      %swap3A_432 = arith.index_cast %scan3A_411 : i32 to index
      %swap3A_433 = arith.constant 16 : index
      %swap3A_434 = tpu.vector_load %arg8[%swap3A_432, %swap3A_433] {strides = array<i32>} : memref<128x32xf32, #tpu.memory_space<vmem>>, vector<1x16xf32>,
      %swap3A_435 = vector.shape_cast %swap3A_434 : vector<1x16xf32> to vector<16xf32>
      %swap3A_436 = vector.shape_cast %mul3A_431 : vector<16xf32> to vector<1x16xf32>
      tpu.vector_store %arg8[%swap3A_432, %swap3A_433], %swap3A_436 {strides = array<i32>} : memref<128x32xf32, #tpu.memory_space<vmem>>, vector<1x16xf32>,
      %mul3A_437 = arith.mulf %mul3A_172, %get3A_430 : vector<16xf32>
      %swap3A_438 = arith.index_cast %scan3A_411 : i32 to index
      %swap3A_439 = arith.constant 16 : index
      %swap3A_440 = tpu.vector_load %arg9[%swap3A_438, %swap3A_439] {strides = array<i32>} : memref<128x32xf32, #tpu.memory_space<vmem>>, vector<1x16xf32>,
      %swap3A_441 = vector.shape_cast %swap3A_440 : vector<1x16xf32> to vector<16xf32>
      %swap3A_442 = vector.shape_cast %mul3A_437 : vector<16xf32> to vector<1x16xf32>
      tpu.vector_store %arg9[%swap3A_438, %swap3A_439], %swap3A_442 {strides = array<i32>} : memref<128x32xf32, #tpu.memory_space<vmem>>, vector<1x16xf32>,
    }
    %scan3A_266 = arith.constant 32 : i32
    %add3A_267 = arith.constant 64 : i32
    %add3A_268 = arith.addi %mul3A_8, %add3A_267 : i32
    %dma_start3A_269 = arith.constant 64 : i32
    %dma_start3A_270 = arith.constant 0 : i32
    %dma_start3A_271 = tpu.memref_slice %arg8[%dma_start3A_269, %dma_start3A_270] : memref<128x32xf32, #tpu.memory_space<vmem>> -> memref<32x32xf32, #tpu.memory_space<vmem>>
    %dma_start3A_272 = arith.constant 0 : i32
    %dma_start3A_273 = tpu.memref_slice %arg4[%add3A_268, %dma_start3A_272] : memref<4096x32xf32, #tpu.memory_space<hbm>> -> memref<32x32xf32, #tpu.memory_space<hbm>>
    %dma_start3A_274 = arith.constant 0 : i32
    %dma_start3A_275 = tpu.memref_slice %arg4[%add3A_268, %dma_start3A_274] : memref<4096x32xf32, #tpu.memory_space<hbm>> -> memref<32x32xf32, #tpu.memory_space<hbm>>
    %dma_start3A_276 = arith.constant 64 : i32
    %dma_start3A_277 = arith.constant 0 : i32
    %dma_start3A_278 = tpu.memref_slice %arg8[%dma_start3A_276, %dma_start3A_277] : memref<128x32xf32, #tpu.memory_space<vmem>> -> memref<32x32xf32, #tpu.memory_space<vmem>>
    tpu.enqueue_dma source(%dma_start3A_278 : memref<32x32xf32, #tpu.memory_space<vmem>>) target(%dma_start3A_275 : memref<32x32xf32, #tpu.memory_space<hbm>>) target_semaphore(%arg16 : memref<!tpu.dma_semaphore, #tpu.memory_space<semaphore_mem>>)
    %add3A_279 = arith.constant 64 : i32
    %add3A_280 = arith.addi %mul3A_8, %add3A_279 : i32
    %dma_start3A_281 = arith.constant 64 : i32
    %dma_start3A_282 = arith.constant 0 : i32
    %dma_start3A_283 = tpu.memref_slice %arg9[%dma_start3A_281, %dma_start3A_282] : memref<128x32xf32, #tpu.memory_space<vmem>> -> memref<32x32xf32, #tpu.memory_space<vmem>>
    %dma_start3A_284 = arith.constant 0 : i32
    %dma_start3A_285 = tpu.memref_slice %arg5[%add3A_280, %dma_start3A_284] : memref<4096x32xf32, #tpu.memory_space<hbm>> -> memref<32x32xf32, #tpu.memory_space<hbm>>
    %dma_start3A_286 = arith.constant 0 : i32
    %dma_start3A_287 = tpu.memref_slice %arg5[%add3A_280, %dma_start3A_286] : memref<4096x32xf32, #tpu.memory_space<hbm>> -> memref<32x32xf32, #tpu.memory_space<hbm>>
    %dma_start3A_288 = arith.constant 64 : i32
    %dma_start3A_289 = arith.constant 0 : i32
    %dma_start3A_290 = tpu.memref_slice %arg9[%dma_start3A_288, %dma_start3A_289] : memref<128x32xf32, #tpu.memory_space<vmem>> -> memref<32x32xf32, #tpu.memory_space<vmem>>
    tpu.enqueue_dma source(%dma_start3A_290 : memref<32x32xf32, #tpu.memory_space<vmem>>) target(%dma_start3A_287 : memref<32x32xf32, #tpu.memory_space<hbm>>) target_semaphore(%arg16 : memref<!tpu.dma_semaphore, #tpu.memory_space<semaphore_mem>>)
    %dma_wait3A_291 = arith.constant 96 : i32
    %dma_wait3A_292 = arith.constant 0 : i32
    %dma_wait3A_293 = tpu.memref_slice %arg6[%dma_wait3A_291, %dma_wait3A_292] : memref<128x32xf32, #tpu.memory_space<vmem>> -> memref<32x32xf32, #tpu.memory_space<vmem>>
    %dma_wait3A_294 = arith.constant 0 : i32
    %dma_wait3A_295 = tpu.memref_slice %arg2[%add3A_45, %dma_wait3A_294] : memref<4096x32xf32, #tpu.memory_space<hbm>> -> memref<32x32xf32, #tpu.memory_space<hbm>>
    %dma_wait3A_296 = arith.constant 96 : i32
    %dma_wait3A_297 = arith.constant 0 : i32
    %dma_wait3A_298 = tpu.memref_slice %arg6[%dma_wait3A_296, %dma_wait3A_297] : memref<128x32xf32, #tpu.memory_space<vmem>> -> memref<32x32xf32, #tpu.memory_space<vmem>>
    %dma_wait3A_299 = arith.constant 0 : i32
    %dma_wait3A_300 = tpu.memref_slice %arg2[%add3A_45, %dma_wait3A_299] : memref<4096x32xf32, #tpu.memory_space<hbm>> -> memref<32x32xf32, #tpu.memory_space<hbm>>
    tpu.wait_dma2 semaphore(%arg13 : memref<!tpu.dma_semaphore, #tpu.memory_space<semaphore_mem>>) src(%dma_wait3A_300 : memref<32x32xf32, #tpu.memory_space<hbm>>) dst(%dma_wait3A_298 : memref<32x32xf32, #tpu.memory_space<vmem>>)
    %scan3A_301 = arith.constant 0 : i32
    %scan3A_302 = arith.constant 96 : i32
    %scan3A_303 = arith.constant 32 : i32
    %scan3A_304 = arith.addi %scan3A_302, %scan3A_303 : i32
    %scan3A_305 = arith.constant 1 : i32
    scf.for %scan3A_411 = %scan3A_302 to %scan3A_304 step %scan3A_305  : i32 {
      %get3A_412 = arith.index_cast %scan3A_411 : i32 to index
      %get3A_413 = arith.constant 0 : index
      %get3A_414 = tpu.vector_load %arg6[%get3A_412, %get3A_413] {strides = array<i32>} : memref<128x32xf32, #tpu.memory_space<vmem>>, vector<1x16xf32>,
      %get3A_415 = vector.shape_cast %get3A_414 : vector<1x16xf32> to vector<16xf32>
      %mul3A_416 = arith.mulf %add3A_169, %get3A_415 : vector<16xf32>
      %swap3A = arith.index_cast %scan3A_411 : i32 to index
      %swap3A_417 = arith.constant 0 : index
      %swap3A_418 = tpu.vector_load %arg8[%swap3A, %swap3A_417] {strides = array<i32>} : memref<128x32xf32, #tpu.memory_space<vmem>>, vector<1x16xf32>,
      %swap3A_419 = vector.shape_cast %swap3A_418 : vector<1x16xf32> to vector<16xf32>
      %swap3A_420 = vector.shape_cast %mul3A_416 : vector<16xf32> to vector<1x16xf32>
      tpu.vector_store %arg8[%swap3A, %swap3A_417], %swap3A_420 {strides = array<i32>} : memref<128x32xf32, #tpu.memory_space<vmem>>, vector<1x16xf32>,
      %mul3A_421 = arith.mulf %mul3A_172, %get3A_415 : vector<16xf32>
      %swap3A_422 = arith.index_cast %scan3A_411 : i32 to index
      %swap3A_423 = arith.constant 0 : index
      %swap3A_424 = tpu.vector_load %arg9[%swap3A_422, %swap3A_423] {strides = array<i32>} : memref<128x32xf32, #tpu.memory_space<vmem>>, vector<1x16xf32>,
      %swap3A_425 = vector.shape_cast %swap3A_424 : vector<1x16xf32> to vector<16xf32>
      %swap3A_426 = vector.shape_cast %mul3A_421 : vector<16xf32> to vector<1x16xf32>
      tpu.vector_store %arg9[%swap3A_422, %swap3A_423], %swap3A_426 {strides = array<i32>} : memref<128x32xf32, #tpu.memory_space<vmem>>, vector<1x16xf32>,
      %get3A_427 = arith.index_cast %scan3A_411 : i32 to index
      %get3A_428 = arith.constant 16 : index
      %get3A_429 = tpu.vector_load %arg6[%get3A_427, %get3A_428] {strides = array<i32>} : memref<128x32xf32, #tpu.memory_space<vmem>>, vector<1x16xf32>,
      %get3A_430 = vector.shape_cast %get3A_429 : vector<1x16xf32> to vector<16xf32>
      %mul3A_431 = arith.mulf %add3A_169, %get3A_430 : vector<16xf32>
      %swap3A_432 = arith.index_cast %scan3A_411 : i32 to index
      %swap3A_433 = arith.constant 16 : index
      %swap3A_434 = tpu.vector_load %arg8[%swap3A_432, %swap3A_433] {strides = array<i32>} : memref<128x32xf32, #tpu.memory_space<vmem>>, vector<1x16xf32>,
      %swap3A_435 = vector.shape_cast %swap3A_434 : vector<1x16xf32> to vector<16xf32>
      %swap3A_436 = vector.shape_cast %mul3A_431 : vector<16xf32> to vector<1x16xf32>
      tpu.vector_store %arg8[%swap3A_432, %swap3A_433], %swap3A_436 {strides = array<i32>} : memref<128x32xf32, #tpu.memory_space<vmem>>, vector<1x16xf32>,
      %mul3A_437 = arith.mulf %mul3A_172, %get3A_430 : vector<16xf32>
      %swap3A_438 = arith.index_cast %scan3A_411 : i32 to index
      %swap3A_439 = arith.constant 16 : index
      %swap3A_440 = tpu.vector_load %arg9[%swap3A_438, %swap3A_439] {strides = array<i32>} : memref<128x32xf32, #tpu.memory_space<vmem>>, vector<1x16xf32>,
      %swap3A_441 = vector.shape_cast %swap3A_440 : vector<1x16xf32> to vector<16xf32>
      %swap3A_442 = vector.shape_cast %mul3A_437 : vector<16xf32> to vector<1x16xf32>
      tpu.vector_store %arg9[%swap3A_438, %swap3A_439], %swap3A_442 {strides = array<i32>} : memref<128x32xf32, #tpu.memory_space<vmem>>, vector<1x16xf32>,
    }
    %scan3A_306 = arith.constant 32 : i32
    %add3A_307 = arith.constant 96 : i32
    %add3A_308 = arith.addi %mul3A_8, %add3A_307 : i32
    %dma_start3A_309 = arith.constant 96 : i32
    %dma_start3A_310 = arith.constant 0 : i32
    %dma_start3A_311 = tpu.memref_slice %arg8[%dma_start3A_309, %dma_start3A_310] : memref<128x32xf32, #tpu.memory_space<vmem>> -> memref<32x32xf32, #tpu.memory_space<vmem>>
    %dma_start3A_312 = arith.constant 0 : i32
    %dma_start3A_313 = tpu.memref_slice %arg4[%add3A_308, %dma_start3A_312] : memref<4096x32xf32, #tpu.memory_space<hbm>> -> memref<32x32xf32, #tpu.memory_space<hbm>>
    %dma_start3A_314 = arith.constant 0 : i32
    %dma_start3A_315 = tpu.memref_slice %arg4[%add3A_308, %dma_start3A_314] : memref<4096x32xf32, #tpu.memory_space<hbm>> -> memref<32x32xf32, #tpu.memory_space<hbm>>
    %dma_start3A_316 = arith.constant 96 : i32
    %dma_start3A_317 = arith.constant 0 : i32
    %dma_start3A_318 = tpu.memref_slice %arg8[%dma_start3A_316, %dma_start3A_317] : memref<128x32xf32, #tpu.memory_space<vmem>> -> memref<32x32xf32, #tpu.memory_space<vmem>>
    tpu.enqueue_dma source(%dma_start3A_318 : memref<32x32xf32, #tpu.memory_space<vmem>>) target(%dma_start3A_315 : memref<32x32xf32, #tpu.memory_space<hbm>>) target_semaphore(%arg17 : memref<!tpu.dma_semaphore, #tpu.memory_space<semaphore_mem>>)
    %add3A_319 = arith.constant 96 : i32
    %add3A_320 = arith.addi %mul3A_8, %add3A_319 : i32
    %dma_start3A_321 = arith.constant 96 : i32
    %dma_start3A_322 = arith.constant 0 : i32
    %dma_start3A_323 = tpu.memref_slice %arg9[%dma_start3A_321, %dma_start3A_322] : memref<128x32xf32, #tpu.memory_space<vmem>> -> memref<32x32xf32, #tpu.memory_space<vmem>>
    %dma_start3A_324 = arith.constant 0 : i32
    %dma_start3A_325 = tpu.memref_slice %arg5[%add3A_320, %dma_start3A_324] : memref<4096x32xf32, #tpu.memory_space<hbm>> -> memref<32x32xf32, #tpu.memory_space<hbm>>
    %dma_start3A_326 = arith.constant 0 : i32
    %dma_start3A_327 = tpu.memref_slice %arg5[%add3A_320, %dma_start3A_326] : memref<4096x32xf32, #tpu.memory_space<hbm>> -> memref<32x32xf32, #tpu.memory_space<hbm>>
    %dma_start3A_328 = arith.constant 96 : i32
    %dma_start3A_329 = arith.constant 0 : i32
    %dma_start3A_330 = tpu.memref_slice %arg9[%dma_start3A_328, %dma_start3A_329] : memref<128x32xf32, #tpu.memory_space<vmem>> -> memref<32x32xf32, #tpu.memory_space<vmem>>
    tpu.enqueue_dma source(%dma_start3A_330 : memref<32x32xf32, #tpu.memory_space<vmem>>) target(%dma_start3A_327 : memref<32x32xf32, #tpu.memory_space<hbm>>) target_semaphore(%arg17 : memref<!tpu.dma_semaphore, #tpu.memory_space<semaphore_mem>>)
    %dma_wait3A_331 = arith.constant 0 : i32
    %dma_wait3A_332 = arith.constant 0 : i32
    %dma_wait3A_333 = tpu.memref_slice %arg8[%dma_wait3A_331, %dma_wait3A_332] : memref<128x32xf32, #tpu.memory_space<vmem>> -> memref<32x32xf32, #tpu.memory_space<vmem>>
    %dma_wait3A_334 = arith.constant 0 : i32
    %dma_wait3A_335 = tpu.memref_slice %arg4[%add3A_188, %dma_wait3A_334] : memref<4096x32xf32, #tpu.memory_space<hbm>> -> memref<32x32xf32, #tpu.memory_space<hbm>>
    %dma_wait3A_336 = arith.constant 0 : i32
    %dma_wait3A_337 = tpu.memref_slice %arg4[%add3A_188, %dma_wait3A_336] : memref<4096x32xf32, #tpu.memory_space<hbm>> -> memref<32x32xf32, #tpu.memory_space<hbm>>
    %dma_wait3A_338 = arith.constant 0 : i32
    %dma_wait3A_339 = arith.constant 0 : i32
    %dma_wait3A_340 = tpu.memref_slice %arg8[%dma_wait3A_338, %dma_wait3A_339] : memref<128x32xf32, #tpu.memory_space<vmem>> -> memref<32x32xf32, #tpu.memory_space<vmem>>
    tpu.wait_dma2 semaphore(%arg14 : memref<!tpu.dma_semaphore, #tpu.memory_space<semaphore_mem>>) src(%dma_wait3A_340 : memref<32x32xf32, #tpu.memory_space<vmem>>) dst(%dma_wait3A_337 : memref<32x32xf32, #tpu.memory_space<hbm>>)
    %dma_wait3A_341 = arith.constant 0 : i32
    %dma_wait3A_342 = arith.constant 0 : i32
    %dma_wait3A_343 = tpu.memref_slice %arg9[%dma_wait3A_341, %dma_wait3A_342] : memref<128x32xf32, #tpu.memory_space<vmem>> -> memref<32x32xf32, #tpu.memory_space<vmem>>
    %dma_wait3A_344 = arith.constant 0 : i32
    %dma_wait3A_345 = tpu.memref_slice %arg5[%add3A_200, %dma_wait3A_344] : memref<4096x32xf32, #tpu.memory_space<hbm>> -> memref<32x32xf32, #tpu.memory_space<hbm>>
    %dma_wait3A_346 = arith.constant 0 : i32
    %dma_wait3A_347 = tpu.memref_slice %arg5[%add3A_200, %dma_wait3A_346] : memref<4096x32xf32, #tpu.memory_space<hbm>> -> memref<32x32xf32, #tpu.memory_space<hbm>>
    %dma_wait3A_348 = arith.constant 0 : i32
    %dma_wait3A_349 = arith.constant 0 : i32
    %dma_wait3A_350 = tpu.memref_slice %arg9[%dma_wait3A_348, %dma_wait3A_349] : memref<128x32xf32, #tpu.memory_space<vmem>> -> memref<32x32xf32, #tpu.memory_space<vmem>>
    tpu.wait_dma2 semaphore(%arg14 : memref<!tpu.dma_semaphore, #tpu.memory_space<semaphore_mem>>) src(%dma_wait3A_350 : memref<32x32xf32, #tpu.memory_space<vmem>>) dst(%dma_wait3A_347 : memref<32x32xf32, #tpu.memory_space<hbm>>)
    %dma_wait3A_351 = arith.constant 32 : i32
    %dma_wait3A_352 = arith.constant 0 : i32
    %dma_wait3A_353 = tpu.memref_slice %arg8[%dma_wait3A_351, %dma_wait3A_352] : memref<128x32xf32, #tpu.memory_space<vmem>> -> memref<32x32xf32, #tpu.memory_space<vmem>>
    %dma_wait3A_354 = arith.constant 0 : i32
    %dma_wait3A_355 = tpu.memref_slice %arg4[%add3A_228, %dma_wait3A_354] : memref<4096x32xf32, #tpu.memory_space<hbm>> -> memref<32x32xf32, #tpu.memory_space<hbm>>
    %dma_wait3A_356 = arith.constant 0 : i32
    %dma_wait3A_357 = tpu.memref_slice %arg4[%add3A_228, %dma_wait3A_356] : memref<4096x32xf32, #tpu.memory_space<hbm>> -> memref<32x32xf32, #tpu.memory_space<hbm>>
    %dma_wait3A_358 = arith.constant 32 : i32
    %dma_wait3A_359 = arith.constant 0 : i32
    %dma_wait3A_360 = tpu.memref_slice %arg8[%dma_wait3A_358, %dma_wait3A_359] : memref<128x32xf32, #tpu.memory_space<vmem>> -> memref<32x32xf32, #tpu.memory_space<vmem>>
    tpu.wait_dma2 semaphore(%arg15 : memref<!tpu.dma_semaphore, #tpu.memory_space<semaphore_mem>>) src(%dma_wait3A_360 : memref<32x32xf32, #tpu.memory_space<vmem>>) dst(%dma_wait3A_357 : memref<32x32xf32, #tpu.memory_space<hbm>>)
    %dma_wait3A_361 = arith.constant 32 : i32
    %dma_wait3A_362 = arith.constant 0 : i32
    %dma_wait3A_363 = tpu.memref_slice %arg9[%dma_wait3A_361, %dma_wait3A_362] : memref<128x32xf32, #tpu.memory_space<vmem>> -> memref<32x32xf32, #tpu.memory_space<vmem>>
    %dma_wait3A_364 = arith.constant 0 : i32
    %dma_wait3A_365 = tpu.memref_slice %arg5[%add3A_240, %dma_wait3A_364] : memref<4096x32xf32, #tpu.memory_space<hbm>> -> memref<32x32xf32, #tpu.memory_space<hbm>>
    %dma_wait3A_366 = arith.constant 0 : i32
    %dma_wait3A_367 = tpu.memref_slice %arg5[%add3A_240, %dma_wait3A_366] : memref<4096x32xf32, #tpu.memory_space<hbm>> -> memref<32x32xf32, #tpu.memory_space<hbm>>
    %dma_wait3A_368 = arith.constant 32 : i32
    %dma_wait3A_369 = arith.constant 0 : i32
    %dma_wait3A_370 = tpu.memref_slice %arg9[%dma_wait3A_368, %dma_wait3A_369] : memref<128x32xf32, #tpu.memory_space<vmem>> -> memref<32x32xf32, #tpu.memory_space<vmem>>
    tpu.wait_dma2 semaphore(%arg15 : memref<!tpu.dma_semaphore, #tpu.memory_space<semaphore_mem>>) src(%dma_wait3A_370 : memref<32x32xf32, #tpu.memory_space<vmem>>) dst(%dma_wait3A_367 : memref<32x32xf32, #tpu.memory_space<hbm>>)
    %dma_wait3A_371 = arith.constant 64 : i32
    %dma_wait3A_372 = arith.constant 0 : i32
    %dma_wait3A_373 = tpu.memref_slice %arg8[%dma_wait3A_371, %dma_wait3A_372] : memref<128x32xf32, #tpu.memory_space<vmem>> -> memref<32x32xf32, #tpu.memory_space<vmem>>
    %dma_wait3A_374 = arith.constant 0 : i32
    %dma_wait3A_375 = tpu.memref_slice %arg4[%add3A_268, %dma_wait3A_374] : memref<4096x32xf32, #tpu.memory_space<hbm>> -> memref<32x32xf32, #tpu.memory_space<hbm>>
    %dma_wait3A_376 = arith.constant 0 : i32
    %dma_wait3A_377 = tpu.memref_slice %arg4[%add3A_268, %dma_wait3A_376] : memref<4096x32xf32, #tpu.memory_space<hbm>> -> memref<32x32xf32, #tpu.memory_space<hbm>>
    %dma_wait3A_378 = arith.constant 64 : i32
    %dma_wait3A_379 = arith.constant 0 : i32
    %dma_wait3A_380 = tpu.memref_slice %arg8[%dma_wait3A_378, %dma_wait3A_379] : memref<128x32xf32, #tpu.memory_space<vmem>> -> memref<32x32xf32, #tpu.memory_space<vmem>>
    tpu.wait_dma2 semaphore(%arg16 : memref<!tpu.dma_semaphore, #tpu.memory_space<semaphore_mem>>) src(%dma_wait3A_380 : memref<32x32xf32, #tpu.memory_space<vmem>>) dst(%dma_wait3A_377 : memref<32x32xf32, #tpu.memory_space<hbm>>)
    %dma_wait3A_381 = arith.constant 64 : i32
    %dma_wait3A_382 = arith.constant 0 : i32
    %dma_wait3A_383 = tpu.memref_slice %arg9[%dma_wait3A_381, %dma_wait3A_382] : memref<128x32xf32, #tpu.memory_space<vmem>> -> memref<32x32xf32, #tpu.memory_space<vmem>>
    %dma_wait3A_384 = arith.constant 0 : i32
    %dma_wait3A_385 = tpu.memref_slice %arg5[%add3A_280, %dma_wait3A_384] : memref<4096x32xf32, #tpu.memory_space<hbm>> -> memref<32x32xf32, #tpu.memory_space<hbm>>
    %dma_wait3A_386 = arith.constant 0 : i32
    %dma_wait3A_387 = tpu.memref_slice %arg5[%add3A_280, %dma_wait3A_386] : memref<4096x32xf32, #tpu.memory_space<hbm>> -> memref<32x32xf32, #tpu.memory_space<hbm>>
    %dma_wait3A_388 = arith.constant 64 : i32
    %dma_wait3A_389 = arith.constant 0 : i32
    %dma_wait3A_390 = tpu.memref_slice %arg9[%dma_wait3A_388, %dma_wait3A_389] : memref<128x32xf32, #tpu.memory_space<vmem>> -> memref<32x32xf32, #tpu.memory_space<vmem>>
    tpu.wait_dma2 semaphore(%arg16 : memref<!tpu.dma_semaphore, #tpu.memory_space<semaphore_mem>>) src(%dma_wait3A_390 : memref<32x32xf32, #tpu.memory_space<vmem>>) dst(%dma_wait3A_387 : memref<32x32xf32, #tpu.memory_space<hbm>>)
    %dma_wait3A_391 = arith.constant 96 : i32
    %dma_wait3A_392 = arith.constant 0 : i32
    %dma_wait3A_393 = tpu.memref_slice %arg8[%dma_wait3A_391, %dma_wait3A_392] : memref<128x32xf32, #tpu.memory_space<vmem>> -> memref<32x32xf32, #tpu.memory_space<vmem>>
    %dma_wait3A_394 = arith.constant 0 : i32
    %dma_wait3A_395 = tpu.memref_slice %arg4[%add3A_308, %dma_wait3A_394] : memref<4096x32xf32, #tpu.memory_space<hbm>> -> memref<32x32xf32, #tpu.memory_space<hbm>>
    %dma_wait3A_396 = arith.constant 0 : i32
    %dma_wait3A_397 = tpu.memref_slice %arg4[%add3A_308, %dma_wait3A_396] : memref<4096x32xf32, #tpu.memory_space<hbm>> -> memref<32x32xf32, #tpu.memory_space<hbm>>
    %dma_wait3A_398 = arith.constant 96 : i32
    %dma_wait3A_399 = arith.constant 0 : i32
    %dma_wait3A_400 = tpu.memref_slice %arg8[%dma_wait3A_398, %dma_wait3A_399] : memref<128x32xf32, #tpu.memory_space<vmem>> -> memref<32x32xf32, #tpu.memory_space<vmem>>
    tpu.wait_dma2 semaphore(%arg17 : memref<!tpu.dma_semaphore, #tpu.memory_space<semaphore_mem>>) src(%dma_wait3A_400 : memref<32x32xf32, #tpu.memory_space<vmem>>) dst(%dma_wait3A_397 : memref<32x32xf32, #tpu.memory_space<hbm>>)
    %dma_wait3A_401 = arith.constant 96 : i32
    %dma_wait3A_402 = arith.constant 0 : i32
    %dma_wait3A_403 = tpu.memref_slice %arg9[%dma_wait3A_401, %dma_wait3A_402] : memref<128x32xf32, #tpu.memory_space<vmem>> -> memref<32x32xf32, #tpu.memory_space<vmem>>
    %dma_wait3A_404 = arith.constant 0 : i32
    %dma_wait3A_405 = tpu.memref_slice %arg5[%add3A_320, %dma_wait3A_404] : memref<4096x32xf32, #tpu.memory_space<hbm>> -> memref<32x32xf32, #tpu.memory_space<hbm>>
    %dma_wait3A_406 = arith.constant 0 : i32
    %dma_wait3A_407 = tpu.memref_slice %arg5[%add3A_320, %dma_wait3A_406] : memref<4096x32xf32, #tpu.memory_space<hbm>> -> memref<32x32xf32, #tpu.memory_space<hbm>>
    %dma_wait3A_408 = arith.constant 96 : i32
    %dma_wait3A_409 = arith.constant 0 : i32
    %dma_wait3A_410 = tpu.memref_slice %arg9[%dma_wait3A_408, %dma_wait3A_409] : memref<128x32xf32, #tpu.memory_space<vmem>> -> memref<32x32xf32, #tpu.memory_space<vmem>>
    tpu.wait_dma2 semaphore(%arg17 : memref<!tpu.dma_semaphore, #tpu.memory_space<semaphore_mem>>) src(%dma_wait3A_410 : memref<32x32xf32, #tpu.memory_space<vmem>>) dst(%dma_wait3A_407 : memref<32x32xf32, #tpu.memory_space<hbm>>)
    return
  }
}

</mosaic_0001>

<sc_bundles>
// kernel: kernel.3.cloned.1.call-start
scs
__scs_entry_jumppad:
0x0: {  	(pc) =	sbr.rel $0x88, $3  }
0x1: {  	(tag) =	ssettag $0x0;
	lr =	simm.s32 $0x1  }
0x2: {  	[smem:$0x3F9F] =	sst lr;
	_ =	strace $0xD0000000  }
0x3: {  	_ = 	snop  }
0x4: {  	_ = 	snop  }
0x5: {  	_ = 	snop  }
0x6: {  	_ = 	snop  }
0x7: {  	_ = 	snop  }
__scs_overlays_trampoline_lowered:
0x8: {  	[smem:$0x3FAE] =	sst s0  }
0x9: {  	[smem:$0x3FAF] =	sst s1  }
0xa: {  	[smem:$0x3FB0] =	sst s2  }
0xb: {  	[smem:$0x3FB1] =	sst s3  }
0xc: {  	[smem:$0x3FB2] =	sst s4  }
0xd: {  	[smem:$0x3FB3] =	sst s5  }
0xe: {  	[smem:$0x3FB4] =	sst s6  }
0xf: {  	[smem:$0x3FB5] =	sst s7  }
0x10: {  	[smem:$0x3FB6] =	sst s8  }
0x11: {  	[smem:$0x3FB7] =	sst s9;
	s0 =	simm.s32 @!p0 $0x0  }
0x12: {  	s1 =	sld [smem:$0x3F9D];
	s0 =	simm.s32 @p0 $0x1  }
0x13: {  	[smem:$0x3FB8] =	sst s0;
	s0 =	simm.s32 @!p1 $0x0  }
0x14: {  	s2 =	sld [smem:$0x3F9C];
	s0 =	simm.s32 @p1 $0x1  }
0x15: {  	[smem:$0x3FB9] =	sst s0;
	s0 =	simm.s32 @!p2 $0x0  }
0x16: {  	s3 =	sld [smem:$0x3FDB];
	s0 =	simm.s32 @p2 $0x1  }
0x17: {  	s4 =	simm.s32 $0x1BF5;
	[smem:$0x3FBB] =	sst s0  }
0x18: {  	s0 =	sld [smem:$0x3F9E];
	_ =	swait.ge [sflag:s4], $0x0  }
0x19: {  	s7 =	sld [smem:$0x3F9F]  }
0x1a: {  	s8 =	sadd.s32 $0xFFFFE003, lr  }
0x1b: {  	s9 =	sadd.s32 $0xFFFFFEF7, lr;
	s5 =	simm.s32 $0xFFFFFFFF;
	p2 =	slt.u32 s8, $0xFFFFF086  }
0x1c: {  	p1 =	slt.u32 s9, $0xF7A;
	s5 =	simm.s32 @!p2 $0x0  }
0x1d: {  	s5 =	simm.s32 @p1 $0x1;
	p0 =	seq.s32 s7, s2  }
0x1e: {  	s7 =	smul.u32 @!p0 $0xF7A, s2;
	p2 =	seq.s32 @!p0 s5, $0x0  }
0x1f: {  	s9 =	smul.u32 $0xF7A, s1;
	s8 =	simm.s32 @!p0 $0x1BF5;
	p2 =	por !p2, p0  }
0x20: {  	[sflag:s8] =	ssyncset.s32 @!p0 $0xFFFFF086;
	s6 =	sadd.s32 @!p0 s3, s7;
	s7 =	simm.s32 @!p0 $0x108  }
0x21: {  	s3 =	sadd.s32 s3, s9;
	s6 =	sadd.s32 @!p0 $0x88, s6;
	s7 =	simm.s32 @p2 $0x1082  }
0x22: {  	[simem:s7], [sflag:s8] =	dma.local @!p0 [hbm:s6], $0xF7A  }
0x23: {  	s9 =	sor.u32 $0xD0000000, s2;
	s6 =	simm.s32 $0x108;
	_ =	swait.ge @!p0 [sflag:s8], $0x0  }
0x24: {  	s3 =	sadd.s32 $0x88, s3;
	s6 =	simm.s32 @!p1 $0x1082;
	[sflag:s4] =	ssyncset.s32 $0xFFFFF086  }
0x25: {  	[simem:s6], [sflag:s4] =	dma.local [hbm:s3], $0xF7A  }
0x26: {  	[smem:$0x3F9F] =	sst s1;
	(tag) =	ssettag s2;
	_ =	strace s9  }
0x27: {  	s1 =	sld [smem:$0x3FAF]  }
0x28: {  	s2 =	sld [smem:$0x3FB0]  }
0x29: {  	s4 =	sld [smem:$0x3FB2]  }
0x2a: {  	p0 =	seq.s32 s5, $0x0;
	s5 =	sld [smem:$0x3FB3]  }
0x2b: {  	s6 =	sld [smem:$0x3FB4]  }
0x2c: {  	s7 =	sld [smem:$0x3FB5]  }
0x2d: {  	s3 =	simm.s32 $0x108;
	s8 =	sld [smem:$0x3FB6]  }
0x2e: {  	s3 =	simm.s32 @!p0 $0x1082;
	s9 =	sld [smem:$0x3FB7]  }
0x2f: {  	lr =	sadd.s32 s0, s3;
	s0 =	sld [smem:$0x3FAE]  }
0x30: {  	s3 =	sld [smem:$0x3FB1]  }
0x31: {  	[smem:$0x3FBA] =	sst s10  }
0x32: {  	s10 =	sld [smem:$0x3FB8];
	_ =	sdelay $0x3  }
0x33: {  	p0 =	seq.s32 s10, $0x1;
	s10 =	sld [smem:$0x3FBA];
	_ =	sdelay $0x3  }
0x34: {  	[smem:$0x3FBA] =	sst s10  }
0x35: {  	s10 =	sld [smem:$0x3FB9];
	_ =	sdelay $0x3  }
0x36: {  	p1 =	seq.s32 s10, $0x1;
	s10 =	sld [smem:$0x3FBA];
	_ =	sdelay $0x3  }
0x37: {  	[smem:$0x3FBA] =	sst s10  }
0x38: {  	s10 =	sld [smem:$0x3FBB]  }
0x39: {  	_ = 	snop;
	(pc) =	sbr.ind lr, $3  }
0x3a: {  	_ = 	snop  }
0x3b: {  	_ = 	snop  }
0x3c: {  	p2 =	seq.s32 s10, $0x1;
	s10 =	sld [smem:$0x3FBA]  }
0x3d: {  	_ =	shalt  }
0x3e: {  	_ =	shalt  }
0x3f: {  	_ =	shalt  }
0x40: {  	_ =	shalt  }
0x41: {  	_ =	shalt  }
0x42: {  	_ =	shalt  }
0x43: {  	_ =	shalt  }
0x44: {  	_ =	shalt  }
0x45: {  	_ =	shalt  }
0x46: {  	_ =	shalt  }
0x47: {  	_ =	shalt  }
0x48: {  	_ =	shalt  }
0x49: {  	_ =	shalt  }
0x4a: {  	_ =	shalt  }
0x4b: {  	_ =	shalt  }
0x4c: {  	_ =	shalt  }
0x4d: {  	_ =	shalt  }
0x4e: {  	_ =	shalt  }
0x4f: {  	_ =	shalt  }
0x50: {  	_ =	shalt  }
0x51: {  	_ =	shalt  }
0x52: {  	_ =	shalt  }
0x53: {  	_ =	shalt  }
0x54: {  	_ =	shalt  }
0x55: {  	_ =	shalt  }
0x56: {  	_ =	shalt  }
0x57: {  	_ =	shalt  }
0x58: {  	_ =	shalt  }
0x59: {  	_ =	shalt  }
0x5a: {  	_ =	shalt  }
0x5b: {  	_ =	shalt  }
0x5c: {  	_ =	shalt  }
0x5d: {  	_ =	shalt  }
0x5e: {  	_ =	shalt  }
0x5f: {  	_ =	shalt  }
0x60: {  	_ =	shalt  }
0x61: {  	_ =	shalt  }
0x62: {  	_ =	shalt  }
0x63: {  	_ =	shalt  }
0x64: {  	_ =	shalt  }
0x65: {  	_ =	shalt  }
0x66: {  	_ =	shalt  }
0x67: {  	_ =	shalt  }
0x68: {  	_ =	shalt  }
0x69: {  	_ =	shalt  }
0x6a: {  	_ =	shalt  }
0x6b: {  	_ =	shalt  }
0x6c: {  	_ =	shalt  }
0x6d: {  	_ =	shalt  }
0x6e: {  	_ =	shalt  }
0x6f: {  	_ =	shalt  }
0x70: {  	_ =	shalt  }
0x71: {  	_ =	shalt  }
0x72: {  	_ =	shalt  }
0x73: {  	_ =	shalt  }
0x74: {  	_ =	shalt  }
0x75: {  	_ =	shalt  }
0x76: {  	_ =	shalt  }
0x77: {  	_ =	shalt  }
0x78: {  	_ =	shalt  }
0x79: {  	_ =	shalt  }
0x7a: {  	_ =	shalt  }
0x7b: {  	_ =	shalt  }
0x7c: {  	_ =	shalt  }
0x7d: {  	_ =	shalt  }
0x7e: {  	_ =	shalt  }
0x7f: {  	_ =	shalt  }
0x80: {  	_ =	shalt  }
0x81: {  	_ =	shalt  }
0x82: {  	_ =	shalt  }
0x83: {  	_ =	shalt  }
0x84: {  	_ =	shalt  }
0x85: {  	_ =	shalt  }
0x86: {  	_ =	shalt  }
0x87: {  	_ =	shalt  }
.Lfunc_end0:
.L_simem_size_0:
called_computation_lowered:
.L_overlay_start_0:
0x88: {  	s2 =	sld [smem:$0x3FD9]  }
0x89: {  	s3 =	sld [smem:$0x3FFE];
	_ =	sdelay $0x1  }
0x8a: {  	s1 =	srdreg.scid  }
0x8b: {  	s0 =	sand.u32 $0x1, s1  }
0x8c: {  	s17 =	sshll.u32 s0, $0xA;
	s2 =	sadd.s32 s3, s2  }
0x8d: {  	s2 =	sadd.s32 s2, s17  }
0x8e: {  	[smem:$0x3FC6] =	sst s2  }
0x8f: {  	_ = 	snop  }
0x90: {  	s2 =	sld [smem:$0x3FD0];
	(tm) =	ssettm $0x1  }
0x91: {  	s18 =	sld [smem:$0x3FFB];
	_ =	sdelay $0x3  }
0x92: {  	_ =	strace s18  }
0x93: {  	s3 =	sld [smem:$0x3FFC];
	_ =	sdelay $0x3  }
0x94: {  	_ =	strace s3  }
0x95: {  	s3 =	sld [smem:$0x3FFD];
	_ =	sdelay $0x3  }
0x96: {  	_ =	strace s3  }
0x97: {  	_ =	strace $0x8FFFFFFF  }
0x98: {  	s19 =	sld [smem:$0x3FDB];
	_ =	sdelay $0x1  }
0x99: {  	s4 =	simm.s32 $_scs_section_size  }
0x9a: {  	s5 =	simm.s32 $_size__tile_overlayer_lowered;
	s6 =	simm.s32 $_tile_overlayer_lowered  }
0x9b: {  	s22 =	simm.s32 $0x1BFF;
	s21 =	sshll.u32 s6, $0x1;
	s3 =	sadd.s32 s4, s19  }
0x9c: {  	s7 =	simm.s32 $0x0;
	s20 =	sshll.u32 s5, $0x1;
	s5 =	sadd.s32 s21, s3  }
0x9d: {  	[timem:s7], [sflag:s22] =	dma.local [hbm:s5], s20  }
0x9e: {  	_ =	swait.ge [sflag:s22], s20  }
0x9f: {  	s4 =	ssub.s32 $0x0, s20;
	[sflag:s22] =	ssyncset.done $0x0  }
0xa0: {  	[sflag:s22] =	ssyncadd.s32 s4;
	_ =	sdelay $0x1  }
0xa1: {  	s23 =	simm.s32 $0x1B8B  }
0xa2: {  	_ =	swait.ge [sflag:s23], $0x1  }
0xa3: {  	[sflag:s23] =	ssyncset.done $0x0  }
0xa4: {  	s25 =	simm.s32 $0x1B8E;
	s24 =	sld [smem:$0x3FFE];
	[sflag:s23] =	ssyncadd.s32 $0xFFFFFFFF  }
0xa5: {  	s26 =	simm.s32 $execute0_lowered;
	[smem:$0x3FD2] =	sst s25  }
0xa6: {  	s5 =	sshll.u32 s26, $0x1;
	_ =	strace $0x80000046;
	[dreg:$0x1] =	wrdreg $0xFFFFFFFF  }
0xa7: {  	s28 =	simm.s32 $_size_execute0_lowered;
	s3 =	sadd.s32 s3, s5;
	[dreg:$0x0] =	wrdreg $0x0  }
0xa8: {  	s5 =	sshll.u32 s28, $0x1;
	[dreg:$0x2] =	wrdreg s3  }
0xa9: {  	[dreg:$0x3] =	wrdreg s5  }
0xaa: {  	[dreg:$0x4] =	wrdreg $0xC0  }
0xab: {  	_ =	task [dreg:s7], $0x5FFFF  }
0xac: {  	[dreg:$0x1] =	wrdreg $0xFFFFFFFF  }
0xad: {  	[dreg:$0x0] =	wrdreg $0x60  }
0xae: {  	[dreg:$0x2] =	wrdreg s24  }
0xaf: {  	[dreg:$0x3] =	wrdreg s2  }
0xb0: {  	[dreg:$0x4] =	wrdreg $0x9  }
0xb1: {  	_ =	task.clear_ibuf [dreg:s7], $0x5FFFF;
	_ =	strace $0x90000046  }
0xb2: {  	s29 =	simm.s32 $0x9;
	_ =	strace $0x80000048  }
0xb3: {  	_ =	swait.ge [sflag:s29], $0x1  }
0xb4: {  	[sflag:s29] =	ssyncadd.s32 $0xFFFFFFFF  }
0xb5: {  	_ =	strace $0x90000048  }
0xb6: {  	_ =	sfence  }
0xb7: {  	s30 =	sld [smem:$0x0];
	_ =	sdelay $0x2  }
0xb8: {  	s31 =	sshll.u32 s1, $0xD;
	s1 =	sshrl.u32 s1, $0x2  }
0xb9: {  	s3 =	sand.u32 $0x4000, s31;
	s1 =	sadd.s32 s1, s30  }
0xba: {  	s0 =	sor.u32 s3, s0;
	s1 =	sshll.u32 s1, $0x11  }
0xbb: {  	s0 =	sor.u32 s1, s0  }
0xbc: {  	s0 =	sadd.s32 $0x8F2B, s0  }
0xbd: {  	[sflag:s0] =	ssyncadd.remote.s32 $0x1  }
0xbe: {  	_ =	sfence.sel $0xFFFF  }
0xbf: {  	[dreg:$0x0] =	wrdreg $0xFFFFFFFF;
	(pc) =	sbr.abs _section_cstart, $3  }
0xc0: {  	[dreg:$0x1] =	wrdreg $0xFFFFFFFF  }
0xc1: {  	_ =	task.clear_ibuf [dreg:s7], $0x2FFFF;
	_ =	strace $0x9FFFFFFF  }
0xc2: {  	(tm) =	ssettm $0x7FFFFFFF  }
0xc3: {  	_ =	shalt  }
tec
execute0_lowered:
.L_overlay_start_1:
0x0: {  	(tag) =	ssettag $0x1  }
0x1: {  	s0 =	rddreg [dreg:$0x0];
	s2 =	simm.s32 $0x0  }
0x2: {  	s1 =	srdreg.scid;
	s6 =	stileid.u32;
	s21 =	simm.s32 $0x9  }
0x3: {  	s22 =	simm.s32 $0x1;
	s25 =	simm.s32 $0x2;
	s29 =	simm.s32 $0x3  }
0x4: {  	s30 =	simm.s32 $0x6400;
	s31 =	simm.s32 $0xA400;
	s17 =	simm.s32 $0x5  }
0x5: {  	s18 =	simm.s32 $0x6;
	s23 =	simm.s32 $0x0;
	[smem:$0x7FF] =	sst s2  }
0x6: {  	s1 =	sand.u32 $0x1, s1;
	s7 =	sadd.s32 $0xA00, s0;
	s14 =	sadd.s32 $0x10A00, s0  }
0x7: {  	s0 =	sadd.s32 $0x20A00, s0;
	s28 =	sshll.u32 s6, $0xC;
	s5 =	sshrl.u32 s6, $0x1  }
0x8: {  	s6 =	sshrl.u32 s6, $0x3;
	_ =	strace $0x80000047;
	s3 =	ssub.s32 $0x2, s1  }
0x9: {  	s1 =	sshll.u32 s1, $0xB;
	s5 =	sand.u32 $0x2, s5;
	s19 =	scvt.s32.f32 s6  }
0xa: {  	s4 =	sshrl.u32 s3, $0x1;
	s1 =	sor.u32 s1, s28;
	s5 =	sadd.s32 $0xFFFFFFFF, s5  }
0xb: {  	s3 =	ssub.s32 s3, s4;
	s4 =	sadd.s32 s7, s1;
	s11 =	sor.u32 $0x200, s1  }
0xc: {  	s13 =	sor.u32 $0x400, s1;
	s8 =	scvt.s32.f32 s5;
	s15 =	sor.u32 $0x600, s1  }
0xd: {  	s9 =	sadd.s32 s0, s1;
	s5 =	sadd.s32 s7, s11;
	s6 =	sadd.s32 s7, s13  }
0xe: {  	s7 =	sadd.s32 s7, s15;
	s10 =	sadd.s32 s14, s11;
	s11 =	sadd.s32 s0, s11  }
0xf: {  	s12 =	sadd.s32 s14, s13;
	s13 =	sadd.s32 s0, s13;
	s16 =	smax.u32 s3, $0x1  }
0x10: {  	s3 =	simm.s32 $0x7400;
	s20 =	smul.f32 s8, s19;
	s8 =	sadd.s32 s14, s1  }
0x11: {  	v2 =	vimm.f32 $1.000000000e+00;
	s14 =	sadd.s32 s14, s15;
	s15 =	sadd.s32 s0, s15;
	s0 =	simm.s32 $0x4  }
0x12: {  	v2 =	vand.u32 $0x7FFFFFFF, v2;
	v0 =	vmov s19;
	s1 =	simm.s32 $0xB400;
	s19 =	simm.s32 $0x7;
	v1 =	vmov s20;
	s20 =	simm.s32 $0x8  }
.LBB2_1:
0x13: {  	[tilespmem:s2], [sflag:$0x1] =	stream.linear.gather [hbm4b:s4+s2], $0x1000, $0x38;
	[tilespmem:$0xC400] =	vst v63  }
0x14: {  	s24 =	simm.s32 $0x1000  }
0x15: {  	[tilespmem:s24], [sflag:$0x2] =	stream.linear.gather [hbm4b:s5+s2], $0x1000, $0x38;
	[tilespmem:$0xC400] =	vst v63  }
0x16: {  	s28 =	simm.s32 $0x2000  }
0x17: {  	[tilespmem:s28], [sflag:$0x3] =	stream.linear.gather [hbm4b:s6+s2], $0x1000, $0x38;
	[tilespmem:$0xC400] =	vst v63  }
0x18: {  	s26 =	simm.s32 $0x3000  }
0x19: {  	[tilespmem:s26], [sflag:$0x4] =	stream.linear.gather [hbm4b:s7+s2], $0x1000, $0x38;
	[tilespmem:$0xC400] =	vst v63  }
0x1a: {  	s28 =	rddreg [dreg:$0x1];
	s26 =	simm.s32 $0x4000  }
0x1b: {  	[tilespmem:s26], [sflag:$0x9] =	stream.linear.gather [hbm4b:s28+s2], $0x400, $0x38;
	[tilespmem:$0xC400] =	vst v63  }
0x1c: {  	_ =	swait.ge [sflag:s21], $0x400  }
0x1d: {  	[sflag:s21] =	ssyncset.done $0x0  }
0x1e: {  	[sflag:s21] =	ssyncadd.s32 $0xFFFFFC00  }
0x1f: {  	v3 =	vld [tilespmem:$0x4000];
	_ =	sdelay $0x4  }
0x20: {  	v3 =	vmul.f32 $5.000000000e-01, v3;
	_ =	sdelay $0x1  }
0x21: {  	v4 =	vmul.f32 $6.366197460e-01, v3;
	_ =	sdelay $0x1  }
0x22: {  	v5 =	vand.u32 $0x80000000, v4;
	vm0 =	vlt.f32 v4, $0.0e+00;
	vm1 =	vgt.f32 v4, $0.0e+00  }
0x23: {  	v5 =	vor.u32 v5, v2;
	vm0 =	vmor vm1, vm0  }
0x24: {  	v5 =	vsel vm0, v5, v4  }
0x25: {  	v5 =	vmul.f32 $5.000000000e-01, v5;
	_ =	sdelay $0x1  }
0x26: {  	v4 =	vadd.f32 v5, v4;
	_ =	sdelay $0x1  }
0x27: {  	v4 =	vtrunc.f32 v4  }
0x28: {  	v4 =	vcvt.f32.s32 v4;
	_ =	sdelay $0x1  }
0x29: {  	v5 =	vcvt.s32.f32 v4;
	_ =	sdelay $0x1  }
0x2a: {  	v6 =	vmul.f32 $-1.570312500e+00, v5;
	_ =	sdelay $0x1  }
0x2b: {  	v5 =	vmul.f32 $-4.838267920e-04, v5;
	v3 =	vadd.f32 v6, v3;
	_ =	sdelay $0x1  }
0x2c: {  	v3 =	vadd.f32 v5, v3;
	_ =	sdelay $0x1  }
0x2d: {  	v5 =	vmul.f32 v3, v3;
	_ =	sdelay $0x1  }
0x2e: {  	v6 =	vmul.f32 $-1.984087430e-04, v5  }
0x2f: {  	v7 =	vmul.f32 $-1.388839680e-03, v5  }
0x30: {  	v6 =	vadd.f32 $8.333330970e-03, v6  }
0x31: {  	v7 =	vadd.f32 $4.166663810e-02, v7  }
0x32: {  	v6 =	vmul.f32 v6, v5  }
0x33: {  	v7 =	vmul.f32 v7, v5  }
0x34: {  	v6 =	vadd.f32 $-1.666666720e-01, v6  }
0x35: {  	v7 =	vadd.f32 $-5.000000000e-01, v7  }
0x36: {  	v6 =	vmul.f32 v6, v5  }
0x37: {  	v5 =	vmul.f32 v7, v5  }
0x38: {  	v6 =	vadd.f32 $1.000000000e+00, v6  }
0x39: {  	v5 =	vadd.f32 $1.000000000e+00, v5  }
0x3a: {  	v3 =	vmul.f32 v6, v3  }
0x3b: {  	v4 =	vand.u32 $0x3, v4;
	v6 =	vsub.f32 $0.0e+00, v5  }
0x3c: {  	vm14 =	veq.s32 v4, $0x2;
	v7 =	vsub.f32 $0.0e+00, v3  }
0x3d: {  	vm15 =	veq.s32 v4, $0x1;
	v8 =	vsel vm14, v6, v3  }
0x3e: {  	vm2 =	veq.s32 v4, $0x0;
	v4 =	vsel vm15, v7, v8  }
0x3f: {  	v4 =	vsel vm2, v5, v4  }
0x40: {  	_ =	swait.ge [sflag:s22], $0x1000;
	v4 =	vadd.f32 $-1.000000000e+00, v4  }
0x41: {  	[sflag:s22] =	ssyncset.done $0x0;
	v6 =	vsel vm14, v7, v6  }
0x42: {  	s24 =	simm.s32 $0x0;
	[sflag:s22] =	ssyncadd.s32 $0xFFFFF000;
	v5 =	vsel vm15, v5, v6;
	v4 =	vmul.f32 v4, v0  }
0x43: {  	v6 =	vsel vm2, v3, v5;
	v5 =	vld [tilespmem:s24+$0x10]  }
0x44: {  	v3 =	vadd.f32 $1.000000000e+00, v4;
	v4 =	vmul.f32 v6, v1;
	v6 =	vld [tilespmem:s24+$0x0];
	_ =	sdelay $0x2  }
0x45: {  	s26 =	simm.s32 $0x200  }
.LBB2_2:
0x46: {  	s28 =	sshra.s32 s26, $0x2;
	p0 =	sne.s32 s26, $0x3E00;
	s26 =	sadd.s32 $0x200, s26;
	v7 =	vmul.f32 v5, v3;
	v8 =	vmul.f32 v5, v4  }
.Ltmp0:
0x47: {  	v5 =	vld [tilespmem:s28+$0x10];
	v9 =	vmul.f32 v6, v3;
	v10 =	vmul.f32 v6, v4;
	(pc) =	sbr.rel @p0 .LBB2_2-.Ltmp0, $4  }
0x48: {  	v6 =	vld [tilespmem:s28+$0x0];
	[tilespmem:s24+$0x8410] =	vst v8  }
0x49: {  	[tilespmem:s24+$0x4400] =	vst v9  }
0x4a: {  	[tilespmem:s24+$0x8400] =	vst v10  }
0x4b: {  	[tilespmem:s24+$0x4410] =	vst v7;
	s24 =	smov.u32 s28  }
0x4c: {  	v7 =	vmul.f32 v5, v4  }
0x4d: {  	v5 =	vmul.f32 v5, v3  }
0x4e: {  	v8 =	vmul.f32 v6, v3;
	[tilespmem:s24+$0x8410] =	vst v7  }
0x4f: {  	v6 =	vmul.f32 v6, v4;
	[tilespmem:s24+$0x4410] =	vst v5  }
0x50: {  	[tilespmem:s24+$0x4400] =	vst v8  }
0x51: {  	s26 =	simm.s32 $0x4400;
	[tilespmem:s24+$0x8400] =	vst v6;
	s24 =	simm.s32 $0x0  }
0x52: {  	[hbm4b:s8+s24] =	stream.linear.scatter [tilespmem:s26], [sflag:$0x5], $0x1000, $0x38;
	[tilespmem:$0xC400] =	vst v63  }
0x53: {  	s28 =	simm.s32 $0x8400  }
0x54: {  	[hbm4b:s9+s24] =	stream.linear.scatter [tilespmem:s28], [sflag:$0x5], $0x1000, $0x38;
	[tilespmem:$0xC400] =	vst v63  }
0x55: {  	_ =	swait.ge [sflag:s25], $0x1000  }
0x56: {  	[sflag:s25] =	ssyncset.done $0x0  }
0x57: {  	s24 =	simm.s32 $0x0;
	[sflag:s25] =	ssyncadd.s32 $0xFFFFF000  }
0x58: {  	v5 =	vld [tilespmem:s24+$0x1010]  }
0x59: {  	v6 =	vld [tilespmem:s24+$0x1000];
	_ =	sdelay $0x2  }
0x5a: {  	s26 =	simm.s32 $0x200  }
.LBB2_4:
0x5b: {  	s28 =	sshra.s32 s26, $0x2;
	p0 =	sne.s32 s26, $0x3E00;
	s26 =	sadd.s32 $0x200, s26;
	v7 =	vmul.f32 v5, v3;
	v8 =	vmul.f32 v5, v4  }
.Ltmp1:
0x5c: {  	v5 =	vld [tilespmem:s28+$0x1010];
	v9 =	vmul.f32 v6, v3;
	v10 =	vmul.f32 v6, v4;
	(pc) =	sbr.rel @p0 .LBB2_4-.Ltmp1, $4  }
0x5d: {  	v6 =	vld [tilespmem:s28+$0x1000];
	[tilespmem:s24+$0x9410] =	vst v8  }
0x5e: {  	[tilespmem:s24+$0x5400] =	vst v9  }
0x5f: {  	[tilespmem:s24+$0x9400] =	vst v10  }
0x60: {  	[tilespmem:s24+$0x5410] =	vst v7;
	s24 =	smov.u32 s28  }
0x61: {  	v7 =	vmul.f32 v5, v4  }
0x62: {  	v5 =	vmul.f32 v5, v3  }
0x63: {  	v8 =	vmul.f32 v6, v3;
	[tilespmem:s24+$0x9410] =	vst v7  }
0x64: {  	v6 =	vmul.f32 v6, v4;
	[tilespmem:s24+$0x5410] =	vst v5  }
0x65: {  	[tilespmem:s24+$0x5400] =	vst v8  }
0x66: {  	s26 =	simm.s32 $0x5400;
	[tilespmem:s24+$0x9400] =	vst v6;
	s24 =	simm.s32 $0x0  }
0x67: {  	[hbm4b:s10+s24] =	stream.linear.scatter [tilespmem:s26], [sflag:$0x6], $0x1000, $0x38;
	[tilespmem:$0xC400] =	vst v63  }
0x68: {  	s28 =	simm.s32 $0x9400  }
0x69: {  	[hbm4b:s11+s24] =	stream.linear.scatter [tilespmem:s28], [sflag:$0x6], $0x1000, $0x38;
	[tilespmem:$0xC400] =	vst v63  }
0x6a: {  	_ =	swait.ge [sflag:s29], $0x1000  }
0x6b: {  	[sflag:s29] =	ssyncset.done $0x0  }
0x6c: {  	s24 =	simm.s32 $0x0;
	[sflag:s29] =	ssyncadd.s32 $0xFFFFF000  }
0x6d: {  	v5 =	vld [tilespmem:s24+$0x2010]  }
0x6e: {  	v6 =	vld [tilespmem:s24+$0x2000];
	_ =	sdelay $0x2  }
0x6f: {  	s26 =	simm.s32 $0x200  }
.LBB2_6:
0x70: {  	s28 =	sshra.s32 s26, $0x2;
	p0 =	sne.s32 s26, $0x3E00;
	s26 =	sadd.s32 $0x200, s26;
	v7 =	vmul.f32 v5, v3;
	v8 =	vmul.f32 v5, v4  }
.Ltmp2:
0x71: {  	v5 =	vld [tilespmem:s28+$0x2010];
	v9 =	vmul.f32 v6, v3;
	v10 =	vmul.f32 v6, v4;
	(pc) =	sbr.rel @p0 .LBB2_6-.Ltmp2, $4  }
0x72: {  	v6 =	vld [tilespmem:s28+$0x2000];
	[tilespmem:s24+$0xA410] =	vst v8  }
0x73: {  	[tilespmem:s24+$0x6400] =	vst v9  }
0x74: {  	[tilespmem:s24+$0xA400] =	vst v10  }
0x75: {  	[tilespmem:s24+$0x6410] =	vst v7;
	s24 =	smov.u32 s28  }
0x76: {  	v7 =	vmul.f32 v5, v4  }
0x77: {  	v5 =	vmul.f32 v5, v3  }
0x78: {  	v8 =	vmul.f32 v6, v3;
	[tilespmem:s24+$0xA410] =	vst v7  }
0x79: {  	v6 =	vmul.f32 v6, v4;
	[tilespmem:s24+$0x6410] =	vst v5  }
0x7a: {  	[tilespmem:s24+$0x6400] =	vst v8  }
0x7b: {  	s28 =	simm.s32 $0x0;
	[tilespmem:s24+$0xA400] =	vst v6  }
0x7c: {  	[hbm4b:s12+s28] =	stream.linear.scatter [tilespmem:s30], [sflag:$0x7], $0x1000, $0x38;
	[tilespmem:$0xC400] =	vst v63  }
0x7d: {  	_ = 	snop  }
0x7e: {  	[hbm4b:s13+s28] =	stream.linear.scatter [tilespmem:s31], [sflag:$0x7], $0x1000, $0x38;
	[tilespmem:$0xC400] =	vst v63  }
0x7f: {  	_ =	swait.ge [sflag:s0], $0x1000  }
0x80: {  	[sflag:s0] =	ssyncset.done $0x0  }
0x81: {  	s24 =	simm.s32 $0x0;
	[sflag:s0] =	ssyncadd.s32 $0xFFFFF000  }
0x82: {  	v5 =	vld [tilespmem:s24+$0x3010]  }
0x83: {  	v6 =	vld [tilespmem:s24+$0x3000];
	_ =	sdelay $0x2  }
0x84: {  	s26 =	simm.s32 $0x200  }
.LBB2_8:
0x85: {  	s28 =	sshra.s32 s26, $0x2;
	p0 =	sne.s32 s26, $0x3E00;
	s26 =	sadd.s32 $0x200, s26;
	v7 =	vmul.f32 v5, v3;
	v8 =	vmul.f32 v5, v4  }
.Ltmp3:
0x86: {  	v5 =	vld [tilespmem:s28+$0x3010];
	v9 =	vmul.f32 v6, v3;
	v10 =	vmul.f32 v6, v4;
	(pc) =	sbr.rel @p0 .LBB2_8-.Ltmp3, $4  }
0x87: {  	v6 =	vld [tilespmem:s28+$0x3000];
	[tilespmem:s24+$0xB410] =	vst v8  }
0x88: {  	[tilespmem:s24+$0x7400] =	vst v9  }
0x89: {  	[tilespmem:s24+$0xB400] =	vst v10  }
0x8a: {  	[tilespmem:s24+$0x7410] =	vst v7;
	s24 =	smov.u32 s28  }
0x8b: {  	v7 =	vmul.f32 v5, v4  }
0x8c: {  	v8 =	vmul.f32 v6, v3  }
0x8d: {  	v63 =	vmul.f32 v6, v4;
	[tilespmem:s24+$0xB410] =	vst v7  }
0x8e: {  	v3 =	vmul.f32 v5, v3;
	[tilespmem:s24+$0x7400] =	vst v8  }
0x8f: {  	[tilespmem:s24+$0xB400] =	vst v63  }
0x90: {  	[tilespmem:s24+$0x7410] =	vst v3  }
0x91: {  	[hbm4b:s14+s2] =	stream.linear.scatter [tilespmem:s3], [sflag:$0x8], $0x1000, $0x38;
	[tilespmem:$0xC400] =	vst v63  }
0x92: {  	_ = 	snop  }
0x93: {  	[hbm4b:s15+s2] =	stream.linear.scatter [tilespmem:s1], [sflag:$0x8], $0x1000, $0x38;
	[tilespmem:$0xC400] =	vst v63  }
0x94: {  	_ =	swait.ge [sflag:s17], $0x1000  }
0x95: {  	[sflag:s17] =	ssyncset.done $0x0  }
0x96: {  	[sflag:s17] =	ssyncadd.s32 $0xFFFFF000  }
0x97: {  	_ =	swait.ge [sflag:s17], $0x1000  }
0x98: {  	[sflag:s17] =	ssyncset.done $0x0  }
0x99: {  	[sflag:s17] =	ssyncadd.s32 $0xFFFFF000  }
0x9a: {  	_ =	swait.ge [sflag:s18], $0x1000  }
0x9b: {  	[sflag:s18] =	ssyncset.done $0x0  }
0x9c: {  	[sflag:s18] =	ssyncadd.s32 $0xFFFFF000  }
0x9d: {  	_ =	swait.ge [sflag:s18], $0x1000  }
0x9e: {  	[sflag:s18] =	ssyncset.done $0x0  }
0x9f: {  	[sflag:s18] =	ssyncadd.s32 $0xFFFFF000  }
0xa0: {  	_ =	swait.ge [sflag:s19], $0x1000  }
0xa1: {  	[sflag:s19] =	ssyncset.done $0x0  }
0xa2: {  	[sflag:s19] =	ssyncadd.s32 $0xFFFFF000  }
0xa3: {  	_ =	swait.ge [sflag:s19], $0x1000  }
0xa4: {  	[sflag:s19] =	ssyncset.done $0x0  }
0xa5: {  	s23 =	sadd.s32 $0x1, s23;
	[sflag:s19] =	ssyncadd.s32 $0xFFFFF000  }
0xa6: {  	p0 =	sne.s32 s23, s16;
	_ =	swait.ge [sflag:s20], $0x1000  }
.Ltmp4:
0xa7: {  	[sflag:s20] =	ssyncset.done $0x0;
	(pc) =	sbr.rel @p0 .LBB2_1-.Ltmp4, $4  }
0xa8: {  	[sflag:s20] =	ssyncadd.s32 $0xFFFFF000  }
0xa9: {  	_ =	swait.ge [sflag:s20], $0x1000  }
0xaa: {  	[sflag:s20] =	ssyncset.done $0x0  }
0xab: {  	[sflag:s20] =	ssyncadd.s32 $0xFFFFF000  }
0xac: {  	_ =	sfence.sel $0x180000  }
0xad: {  	[bflag:$0x0] =	sbarrier.arrive $0xFFFF  }
0xae: {  	_ =	strace $0x90000047  }
0xaf: {  	s0 =	stileid.u32;
	[bflag:$0x2] =	sbarrier.arrive $0xFFFF  }
0xb0: {  	p0 =	sne.s32 s0, $0x0;
	s0 =	rddreg [dreg:$0x2]  }
0xb1: {  	s0 =	sadd.s32 @!p0 $0x100000, s0  }
0xb2: {  	[sflag:s0] =	ssyncadd.tile.s32 @!p0 $0x1;
	_ =	shalt  }
.Lfunc_end2:
_tile_overlayer_lowered:
.L_overlay_start_2:
0xb3: {  	(tag) =	ssettag $0x2  }
0xb4: {  	s0 =	rddreg [dreg:$0x0];
	s2 =	stileid.u32  }
0xb5: {  	s1 =	rddreg [dreg:$0x1];
	p0 =	sne.s32 s2, $0x0  }
0xb6: {  	s3 =	rddreg [dreg:$0x2];
	[bflag:$0x3] =	sbarrier.arrive $0xFFFF;
	s2 =	simm.s32 @!p0 $0x1C09  }
0xb7: {  	[timem:s3], [sflag:s2] =	dma.local @!p0 [hbm:s0], s1  }
0xb8: {  	s0 =	simm.s32 @!p0 $0x9  }
0xb9: {  	_ =	swait.ge @!p0 [sflag:s0], s1  }
0xba: {  	s1 =	ssub.s32 @!p0 $0x0, s1;
	[sflag:s0] =	ssyncset.done @!p0 $0x0  }
0xbb: {  	[sflag:s0] =	ssyncadd.s32 @!p0 s1  }
0xbc: {  	[bflag:$0x3] =	sbarrier.arrive $0xFFFF  }
0xbd: {  	_ =	shalt  }

</sc_bundles>
